<compile_context>
chip_gen: v7x
topology: tpu7x:2x2x1
jax: 0.10.2.dev20260603
libtpu: 0.0.44.dev20260713+nightly
codegen_flags: <defaults>
</compile_context>

<pallas_src>
import functools

import jax
import jax.numpy as jnp
from jax import lax
from jax.experimental import pallas as pl
from jax.experimental.pallas import tpu as pltpu
from jax.experimental.pallas import tpu_sc as plsc

N = 2048
D = 1024
E = 8
DH = 2730
CAP = 320
TRASH = E * CAP
THRESHOLD = 0.2
EPS = 1e-9

NC, NS = 2, 16
NW = NC * NS
TPW = N // NW
CCH = 32


_ERFQ = [4.737606048583984, -27.709239959716797, 142.78829956054688,
         -553.41455078125, 1588.530029296875, -3318.834716796875, 4927.75,
         -5025.638671875, 3329.3203125, -1285.65625, 219.126953125]
_ERFX = 4.2 * 1.4142135623730951


def _erf_invsqrt2(x):
    t = jnp.clip(x * (1.0 / _ERFX), -1.0, 1.0)
    u = t * t
    acc = jnp.full_like(t, _ERFQ[-1])
    for c in _ERFQ[-2::-1]:
        acc = acc * u + c
    return t * acc


def _gelu_exact(x):
    return 0.5 * x * (1.0 + _erf_invsqrt2(x))


def _router_body(x_ref, wg_ref, probs_ref, slots_ref, wts_ref, cnt_ref, loss_ref, col_ref):
    x = x_ref[...]
    wg = wg_ref[...]
    logits = lax.dot_general(x, wg, (((1,), (1,)), ((), ())),
                             preferred_element_type=jnp.float32)
    m = jnp.max(logits, axis=1, keepdims=True)
    ex = jnp.exp(logits - m)
    s = jnp.sum(ex, axis=1, keepdims=True)
    raw = ex / s

    iota = lax.broadcasted_iota(jnp.int32, (N, E), 1).astype(jnp.float32)
    g0 = jnp.max(raw, axis=1, keepdims=True)
    i0 = jnp.min(jnp.where(raw == g0, iota, float(E)), axis=1, keepdims=True)
    oh0 = (iota == i0).astype(jnp.float32)
    raw2 = jnp.where(oh0 > 0.0, -1.0, raw)
    g1 = jnp.max(raw2, axis=1, keepdims=True)
    i1 = jnp.min(jnp.where(raw2 == g1, iota, float(E)), axis=1, keepdims=True)
    oh1 = (iota == i1).astype(jnp.float32)

    denom = jnp.maximum(g0 + g1, EPS)
    gn0 = g0 / denom
    gn1 = g1 / denom
    sr1 = (probs_ref[...] < gn1 / THRESHOLD).astype(jnp.float32)
    mask0 = oh0
    mask1 = oh1 * sr1

    r_io = lax.broadcasted_iota(jnp.int32, (N, N), 0)
    c_io = lax.broadcasted_iota(jnp.int32, (N, N), 1)
    tril = (c_io < r_io).astype(jnp.float32)
    excl0 = lax.dot_general(tril, mask0, (((1,), (0,)), ((), ())),
                            preferred_element_type=jnp.float32)
    excl1 = lax.dot_general(tril, mask1, (((1,), (0,)), ((), ())),
                            preferred_element_type=jnp.float32)

    capf = float(CAP)
    pos0 = excl0 * mask0
    capped0 = mask0 * (pos0 < capf).astype(jnp.float32)
    cnt0 = jnp.sum(capped0, axis=0, keepdims=True)
    pos1 = (excl1 + cnt0) * mask1
    capped1 = mask1 * (pos1 < capf).astype(jnp.float32)
    cnt1 = jnp.sum(capped1, axis=0, keepdims=True)

    flag0 = jnp.sum(capped0, axis=1, keepdims=True)
    flag1 = jnp.sum(capped1, axis=1, keepdims=True)
    p0 = jnp.sum(pos0, axis=1, keepdims=True)
    p1 = jnp.sum(pos1, axis=1, keepdims=True)
    w0 = gn0 * flag0
    w1 = gn1 * flag1
    slot0 = i0 * capf + p0
    slot1 = i1 * capf + p1
    ds0 = jnp.where(flag0 > 0.0, slot0, float(TRASH))
    ds1 = jnp.where(flag1 > 0.0, slot1, float(TRASH))
    gs0 = jnp.where(flag0 > 0.0, slot0, 0.0)
    gs1 = jnp.where(flag1 > 0.0, slot1, 0.0)

    packed = jnp.concatenate([ds0, ds1, gs0, gs1, w0, w1, flag0, flag1], axis=1)
    packed_t = jnp.transpose(packed)
    slots_ref[...] = packed_t[0:4, :].astype(jnp.int32)
    wts_ref[...] = packed_t[4:6, :]
    cnt_ref[...] = cnt0 + cnt1
    col_ref[...] = jnp.concatenate([ds0, ds1, w0, w1], axis=1)

    density1 = jnp.sum(oh0, axis=0, keepdims=True) / float(N)
    proxy = jnp.sum(raw, axis=0, keepdims=True) / float(N)
    balance = jnp.sum(density1 * proxy) / float(E) * float(E * E)
    lse = m + jnp.log(s)
    z = jnp.sum(lse * lse) / float(N)
    loss_ref[...] = jnp.concatenate(
        [balance.reshape(1, 1), z.reshape(1, 1)], axis=1)


def _run_router(x2d, wg, probs):
    return pl.pallas_call(
        _router_body,
        out_shape=(
            jax.ShapeDtypeStruct((4, N), jnp.int32),
            jax.ShapeDtypeStruct((2, N), jnp.float32),
            jax.ShapeDtypeStruct((1, E), jnp.float32),
            jax.ShapeDtypeStruct((1, 2), jnp.float32),
            jax.ShapeDtypeStruct((N, 4), jnp.float32),
        ),
    )(x2d, wg, probs)


def _sc_mesh():
    return plsc.VectorSubcoreMesh(
        core_axis_name="c", subcore_axis_name="s",
        num_cores=NC, num_subcores=NS)


@functools.cache
def _get_dispatch():
    @functools.partial(
        pl.kernel,
        out_type=jax.ShapeDtypeStruct((TRASH + 1, D), jnp.float32),
        mesh=_sc_mesh(),
        scratch_types=[
            pltpu.VMEM((TPW, D), jnp.float32),
            pltpu.VMEM((TPW,), jnp.int32),
            pltpu.VMEM((TPW,), jnp.int32),
            pltpu.SemaphoreType.DMA,
            pltpu.SemaphoreType.DMA,
        ],
    )
    def _dispatch_sc(x_hbm, slots_hbm, xe_hbm, xrows, idx0, idx1, sem, sem2):
        wid = lax.axis_index("s") * NC + lax.axis_index("c")
        base = wid * TPW
        pltpu.sync_copy(x_hbm.at[pl.ds(base, TPW), :], xrows)
        pltpu.sync_copy(slots_hbm.at[0, pl.ds(base, TPW)], idx0)
        pltpu.sync_copy(slots_hbm.at[1, pl.ds(base, TPW)], idx1)
        c0 = pltpu.async_copy(xrows, xe_hbm.at[idx0], sem)
        c1 = pltpu.async_copy(xrows, xe_hbm.at[idx1], sem2)
        c0.wait()
        c1.wait()

    return _dispatch_sc


DHALF = D // 2


DHALF = D // 2


def _ffn_body(cnt_ref, xe_ref, w1_ref, b1_ref, gm_ref, w2_ref, b2_ref, col_ref,
              out_ref, h_ref, act_ref, acc_ref, sem):
    e = pl.program_id(0)
    p = pl.program_id(1)
    cnt = cnt_ref[0, e]
    row = lax.broadcasted_iota(jnp.int32, (CAP, 1), 0).astype(jnp.float32)
    xe = jnp.where(row < cnt, xe_ref[...], 0.0)
    erow = lax.broadcasted_iota(jnp.int32, (E, 1), 0)
    esel = (erow == e).astype(jnp.float32)

    @pl.when((e == 0) & (p == 0))
    def _():
        acc_ref[...] = jnp.zeros((N, D), jnp.float32)

    @pl.when(p == 0)
    def _():
        h_ref[...] = lax.dot_general(
            xe[:, :DHALF], w1_ref[0], (((1,), (1,)), ((), ())),
            preferred_element_type=jnp.float32)

    @pl.when(p == 1)
    def _():
        b1v = jnp.sum(b1_ref[...] * esel, axis=0, keepdims=True)
        gmv = jnp.sum(gm_ref[...] * esel, axis=0, keepdims=True)
        h = h_ref[...] + lax.dot_general(
            xe[:, DHALF:], w1_ref[0], (((1,), (1,)), ((), ())),
            preferred_element_type=jnp.float32) + b1v
        act_ref[...] = _gelu_exact(h[:, DH:]) * h[:, :DH] * gmv

    @pl.when(p > 0)
    def _():
        b2v = jnp.sum(b2_ref[...] * esel, axis=0, keepdims=True)
        b2c = jnp.where(p == 1, b2v[:, :DHALF], b2v[:, DHALF:])
        y = lax.dot_general(act_ref[...], w2_ref[0], (((1,), (1,)), ((), ())),
                            preferred_element_type=jnp.float32) + b2c
        slot_id = lax.broadcasted_iota(jnp.int32, (N, CAP), 1).astype(jnp.float32) + e.astype(jnp.float32) * float(CAP)
        cmb = (col_ref[:, 0:1] == slot_id).astype(jnp.float32) * col_ref[:, 2:3]
        cmb = cmb + (col_ref[:, 1:2] == slot_id).astype(jnp.float32) * col_ref[:, 3:4]
        upd = lax.dot_general(cmb, y, (((1,), (0,)), ((), ())),
                              preferred_element_type=jnp.float32)
        @pl.when(p == 1)
        def _():
            acc_ref[:, :DHALF] = acc_ref[:, :DHALF] + upd

        @pl.when(p == 2)
        def _():
            acc_ref[:, DHALF:] = acc_ref[:, DHALF:] + upd

    @pl.when((e == E - 1) & (p == 2))
    def _():
        pltpu.make_async_copy(acc_ref, out_ref, sem).start()
        pltpu.make_async_copy(acc_ref, out_ref, sem).wait()


def _run_ffn(cnt, xe, w1, b1, gm, w2, b2, col):
    return pl.pallas_call(
        _ffn_body,
        grid=(E, 3),
        in_specs=[
            pl.BlockSpec(memory_space=pltpu.SMEM),
            pl.BlockSpec((CAP, D), lambda e, p: (e, 0)),
            pl.BlockSpec((1, 2 * DH, DHALF),
                         lambda e, p: (e, 0, jnp.minimum(p, 1))),
            pl.BlockSpec((E, 2 * DH), lambda e, p: (0, 0)),
            pl.BlockSpec((E, DH), lambda e, p: (0, 0)),
            pl.BlockSpec((1, DHALF, DH),
                         lambda e, p: (e, jnp.maximum(p - 1, 0), 0)),
            pl.BlockSpec((E, D), lambda e, p: (0, 0)),
            pl.BlockSpec((N, 4), lambda e, p: (0, 0)),
        ],
        out_specs=pl.BlockSpec(memory_space=pl.ANY),
        out_shape=jax.ShapeDtypeStruct((N, D), jnp.float32),
        scratch_shapes=[pltpu.VMEM((CAP, 2 * DH), jnp.float32),
                        pltpu.VMEM((CAP, DH), jnp.float32),
                        pltpu.VMEM((N, D), jnp.float32),
                        pltpu.SemaphoreType.DMA],
        compiler_params=pltpu.CompilerParams(
            dimension_semantics=("arbitrary", "arbitrary"),
            vmem_limit_bytes=62 * 1024 * 1024),
    )(cnt, xe, w1, b1, gm, w2, b2, col)


@functools.cache
def _get_combine():
    @functools.partial(
        pl.kernel,
        out_type=jax.ShapeDtypeStruct((N, D), jnp.float32),
        mesh=_sc_mesh(),
        scratch_types=[
            pltpu.VMEM((CCH, D), jnp.float32),
            pltpu.VMEM((CCH, D), jnp.float32),
            pltpu.VMEM((CCH,), jnp.int32),
            pltpu.VMEM((CCH,), jnp.int32),
            pltpu.VMEM((CCH,), jnp.float32),
            pltpu.VMEM((CCH,), jnp.float32),
            pltpu.SemaphoreType.DMA,
            pltpu.SemaphoreType.DMA,
        ],
        compiler_params=pltpu.CompilerParams(needs_layout_passes=False),
    )
    def _combine_sc(y_hbm, slots_hbm, wts_hbm, out_hbm,
                    y0, y1, g0i, g1i, w0v, w1v, sem, sem2):
        wid = lax.axis_index("s") * NC + lax.axis_index("c")
        for half in range(TPW // CCH):
            tb = wid * TPW + half * CCH
            pltpu.sync_copy(slots_hbm.at[2, pl.ds(tb, CCH)], g0i)
            pltpu.sync_copy(slots_hbm.at[3, pl.ds(tb, CCH)], g1i)
            pltpu.sync_copy(wts_hbm.at[0, pl.ds(tb, CCH)], w0v)
            pltpu.sync_copy(wts_hbm.at[1, pl.ds(tb, CCH)], w1v)
            c0 = pltpu.async_copy(y_hbm.at[g0i], y0, sem)
            c1 = pltpu.async_copy(y_hbm.at[g1i], y1, sem2)
            c0.wait()
            c1.wait()

            def token(t, carry):
                tfull = jnp.full((16,), t, jnp.int32)
                w0b = plsc.load_gather(w0v, [tfull])
                w1b = plsc.load_gather(w1v, [tfull])
                for i in range(D // 16):
                    a = y0[t, pl.ds(i * 16, 16)]
                    b = y1[t, pl.ds(i * 16, 16)]
                    y0[t, pl.ds(i * 16, 16)] = a * w0b + b * w1b
                return carry

            lax.fori_loop(0, CCH, token, 0)
            pltpu.sync_copy(y0, out_hbm.at[pl.ds(tb, CCH), :])

    return _combine_sc


def kernel(x, Wg, W1, b1, gm, W2, b2):
    x2d = x.reshape(N, D)
    probs = jax.random.uniform(jax.random.key(42), (2, 1, N), dtype=jnp.float32)
    probs1 = probs[1].reshape(N, 1)

    slots, wts, cnt, losses, col = _run_router(x2d, Wg, probs1)
    xe = _get_dispatch()(x2d, slots)
    out = _run_ffn(cnt, xe, W1, b1, gm, W2, b2, col)

    balance = losses[0, 0]
    z = losses[0, 1]
    total = balance * 1e-2 + z * 1e-3
    return out.reshape(x.shape), total, balance, z

# --- scband reference (transcript-rebuilt; emitter-appended) ---
"""Pipeline reference for scband-mo-e-64536178590140 (READ-ONLY COPY).

The authoritative reference and input builder live on the scoring server;
editing this copy changes nothing except your own understanding.
"""

import jax, jax.numpy as jnp
import numpy as np

DIM = 1024
NUM_EXPERTS = 8
TOP_N = 2
HIDDEN_MULT = 4
DIM_HIDDEN = int(DIM * HIDDEN_MULT * 2 / 3)
CAPACITY_FACTOR = 1.25
THRESHOLD = 0.2
EPS = 1e-9
MIN_EXPERT_CAPACITY = 4
BALANCE_LOSS_COEF = 1e-2
ROUTER_Z_LOSS_COEF = 1e-3


def setup_inputs(seed: int = 0) -> dict:
    key = jax.random.key(seed)
    ks = jax.random.split(key, 8)
    b, n, d, e, dh = 1, 2048, DIM, NUM_EXPERTS, DIM_HIDDEN
    x = jax.random.normal(ks[0], (b, n, d), dtype=jnp.float32)
    # router: nn.Linear(dim, num_gates, bias=False)
    Wg = jax.random.normal(ks[1], (e, d), dtype=jnp.float32) * (d ** -0.5)
    # per-expert GEGLU FFN params (init_ uses uniform(-std, std) with std = out_dim ** -0.5)
    std1 = (2 * dh) ** -0.5
    W1 = jax.random.uniform(ks[2], (e, 2 * dh, d), minval=-std1, maxval=std1, dtype=jnp.float32)
    b1 = jax.random.uniform(ks[3], (e, 2 * dh), minval=-std1, maxval=std1, dtype=jnp.float32)
    gm = jnp.ones((e, dh), dtype=jnp.float32)  # GEGLU mult_bias
    std2 = d ** -0.5
    W2 = jax.random.uniform(ks[4], (e, d, dh), minval=-std2, maxval=std2, dtype=jnp.float32)
    b2 = jax.random.uniform(ks[5], (e, d), minval=-std2, maxval=std2, dtype=jnp.float32)
    return {"x": x, "Wg": Wg, "W1": W1, "b1": b1, "gm": gm, "W2": W2, "b2": b2}


def _moe_forward(x, Wg, W1, b1, gm, W2, b2):
    b, n, d = x.shape
    e = Wg.shape[0]
    dh = gm.shape[1]
    expert_capacity = max(min(n, int(n * CAPACITY_FACTOR / e)), MIN_EXPERT_CAPACITY)
    cap_f = float(expert_capacity)

    # ---- TopNGating ----
    gate_logits = jnp.einsum('bnd,ed->bne', x, Wg)
    raw_gates = jax.nn.softmax(gate_logits, axis=-1)
    gates, gate_indices = jax.lax.top_k(raw_gates, TOP_N)      # [b,n,k]
    gates = jnp.moveaxis(gates, -1, 0)                          # [k,b,n]
    gate_indices = jnp.moveaxis(gate_indices, -1, 0)            # [k,b,n]
    one_hot = jax.nn.one_hot(gate_indices, e, dtype=x.dtype)    # [k,b,n,e]
    mask = one_hot
    mask_1 = mask[0]

    denom = jnp.maximum(gates.sum(axis=0, keepdims=True), EPS)
    gates = gates / denom

    # stochastic routing threshold for experts beyond the first
    probs = jax.random.uniform(jax.random.key(42), gates.shape, dtype=gates.dtype)
    should_route = probs < (gates / max(THRESHOLD, EPS))
    should_route = should_route.at[0].set(True)
    mask = mask * should_route[..., None].astype(mask.dtype)

    incl = jnp.cumsum(mask, axis=-2)
    mask_cumsum = incl - mask  # exclusive cumsum along sequence

    positions = []
    new_masks = []
    prev_expert_count = jnp.zeros((b, 1, e), dtype=x.dtype)
    for k in range(TOP_N):
        pos_in_exp = (mask_cumsum[k] + prev_expert_count) * mask[k]
        mask_k = mask[k] * (pos_in_exp < cap_f).astype(x.dtype)
        prev_expert_count = mask_k.sum(axis=-2, keepdims=True) + prev_expert_count
        positions.append(pos_in_exp.sum(axis=-1))
        new_masks.append(mask_k)
    positions = jnp.stack(positions)       # [k,b,n]
    mask = jnp.stack(new_masks)            # [k,b,n,e]
    mask_flat = mask.sum(axis=-1)          # [k,b,n]
    gates = gates * mask_flat

    pos_one_hot = jax.nn.one_hot(positions.astype(jnp.int32), expert_capacity, dtype=x.dtype)  # [k,b,n,c]
    combine_tensor = (gates[..., None, None]
                      * mask_flat[..., None, None]
                      * one_hot[..., None]
                      * pos_one_hot[..., None, :]).sum(axis=0)  # [b,n,e,c]

    dispatch_hard = (combine_tensor != 0).astype(x.dtype)
    dispatch_tensor = dispatch_hard + combine_tensor - jax.lax.stop_gradient(combine_tensor)

    density_1 = mask_1.mean(axis=-2)
    density_1_proxy = raw_gates.mean(axis=-2)
    balance_loss = (density_1_proxy * density_1).mean() * float(e ** 2)
    router_z_loss = jnp.square(jax.nn.logsumexp(gate_logits, axis=-1)).mean()

    # ---- dispatch / experts / combine ----
    expert_inputs = jnp.einsum('bnd,bnec->becd', x, dispatch_tensor)
    h = jnp.einsum('becd,ehd->bech', expert_inputs, W1) + b1[None, :, None, :]
    h_x, h_g = h[..., :dh], h[..., dh:]
    act = jax.nn.gelu(h_g, approximate=False) * h_x * gm[None, :, None, :]
    expert_outputs = jnp.einsum('bech,edh->becd', act, W2) + b2[None, :, None, :]
    output = jnp.einsum('becd,bnec->bnd', expert_outputs, combine_tensor)

    total_aux_loss = balance_loss * BALANCE_LOSS_COEF + router_z_loss * ROUTER_Z_LOSS_COEF
    return output, total_aux_loss, balance_loss, router_z_loss


def reference(x, Wg, W1, b1, gm, W2, b2):
    return _moe_forward(x, Wg, W1, b1, gm, W2, b2)

if __name__ == "__main__":
    import jax
    _d = setup_inputs()
    print(jax.jit(kernel)(*tuple(_d.values())))

</pallas_src>

<mosaic_0001>
#map = affine_map<(d0, d1) -> (0, 0)>
module attributes {stable_mosaic.version = 14 : i64} {
  func.func @_dispatch_sc(%arg0: i32, %arg1: i32, %arg2: memref<2048x1024xf32, #tpu.memory_space<hbm>>, %arg3: memref<4x2048xi32, #tpu.memory_space<hbm>>, %arg4: memref<2561x1024xf32, #tpu.memory_space<hbm>>, %arg5: memref<64x1024xf32, #tpu.memory_space<vmem>>, %arg6: memref<64xi32, #tpu.memory_space<vmem>>, %arg7: memref<64xi32, #tpu.memory_space<vmem>>, %arg8: memref<!tpu.dma_semaphore, #tpu.memory_space<semaphore_mem>>, %arg9: memref<!tpu.dma_semaphore, #tpu.memory_space<semaphore_mem>>) attributes {dimension_semantics = [#tpu.dimension_semantics<core_parallel>, #tpu.dimension_semantics<subcore_parallel>], iteration_bounds = array<i64: 2, 16>, scalar_prefetch = 0 : i64, scratch_operands = 5 : i64, tpu.core_type = #tpu.core_type<sc_vector_subcore>, window_params = [{transform_indices = #map}, {transform_indices = #map}, {transform_indices = #map}]} {
    %mul3A = arith.constant 2 : i32
    %mul3A_0 = arith.muli %arg1, %mul3A : i32
    %add3A = arith.addi %mul3A_0, %arg0 : i32
    %mul3A_1 = arith.constant 64 : i32
    %mul3A_2 = arith.muli %add3A, %mul3A_1 : i32
    "tpu.region"() ({
      %run_scoped3A_14 = tpu.sem_alloc : memref<!tpu.dma_semaphore, #tpu.memory_space<semaphore_mem>>
      %dma_start3A_15 = arith.constant 0 : i32
      %dma_start3A_16 = tpu.memref_slice %arg2[%mul3A_2, %dma_start3A_15] : memref<2048x1024xf32, #tpu.memory_space<hbm>> -> memref<64x1024xf32, #tpu.memory_space<hbm>>
      %dma_start3A_17 = arith.constant 0 : i32
      %dma_start3A_18 = tpu.memref_slice %arg2[%mul3A_2, %dma_start3A_17] : memref<2048x1024xf32, #tpu.memory_space<hbm>> -> memref<64x1024xf32, #tpu.memory_space<hbm>>
      tpu.enqueue_dma source(%dma_start3A_18 : memref<64x1024xf32, #tpu.memory_space<hbm>>) target(%arg5 : memref<64x1024xf32, #tpu.memory_space<vmem>>) target_semaphore(%run_scoped3A_14 : memref<!tpu.dma_semaphore, #tpu.memory_space<semaphore_mem>>)
      %dma_wait3A_19 = arith.constant 0 : i32
      %dma_wait3A_20 = tpu.memref_slice %arg2[%mul3A_2, %dma_wait3A_19] : memref<2048x1024xf32, #tpu.memory_space<hbm>> -> memref<64x1024xf32, #tpu.memory_space<hbm>>
      %dma_wait3A_21 = arith.constant 0 : i32
      %dma_wait3A_22 = tpu.memref_slice %arg2[%mul3A_2, %dma_wait3A_21] : memref<2048x1024xf32, #tpu.memory_space<hbm>> -> memref<64x1024xf32, #tpu.memory_space<hbm>>
      tpu.wait_dma2 semaphore(%run_scoped3A_14 : memref<!tpu.dma_semaphore, #tpu.memory_space<semaphore_mem>>) src(%dma_wait3A_22 : memref<64x1024xf32, #tpu.memory_space<hbm>>) dst(%arg5 : memref<64x1024xf32, #tpu.memory_space<vmem>>)
      tpu.yield
    }) : () -> ()
    %run_scoped3A = arith.constant 0 : i32
    "tpu.region"() ({
      %run_scoped3A_14 = tpu.sem_alloc : memref<!tpu.dma_semaphore, #tpu.memory_space<semaphore_mem>>
      %dma_start3A_15 = tpu.memref_slice %arg3[%run_scoped3A, %mul3A_2] : memref<4x2048xi32, #tpu.memory_space<hbm>> -> memref<1x64xi32, #tpu.memory_space<hbm>>
      %dma_start3A_16 = tpu.memref_squeeze %dma_start3A_15 : memref<1x64xi32, #tpu.memory_space<hbm>> -> memref<64xi32, #tpu.memory_space<hbm>>
      %dma_start3A_17 = tpu.memref_slice %arg3[%run_scoped3A, %mul3A_2] : memref<4x2048xi32, #tpu.memory_space<hbm>> -> memref<1x64xi32, #tpu.memory_space<hbm>>
      %dma_start3A_18 = tpu.memref_squeeze %dma_start3A_17 : memref<1x64xi32, #tpu.memory_space<hbm>> -> memref<64xi32, #tpu.memory_space<hbm>>
      tpu.enqueue_dma source(%dma_start3A_18 : memref<64xi32, #tpu.memory_space<hbm>>) target(%arg6 : memref<64xi32, #tpu.memory_space<vmem>>) target_semaphore(%run_scoped3A_14 : memref<!tpu.dma_semaphore, #tpu.memory_space<semaphore_mem>>)
      %dma_wait3A_19 = tpu.memref_slice %arg3[%run_scoped3A, %mul3A_2] : memref<4x2048xi32, #tpu.memory_space<hbm>> -> memref<1x64xi32, #tpu.memory_space<hbm>>
      %dma_wait3A_20 = tpu.memref_squeeze %dma_wait3A_19 : memref<1x64xi32, #tpu.memory_space<hbm>> -> memref<64xi32, #tpu.memory_space<hbm>>
      %dma_wait3A_21 = tpu.memref_slice %arg3[%run_scoped3A, %mul3A_2] : memref<4x2048xi32, #tpu.memory_space<hbm>> -> memref<1x64xi32, #tpu.memory_space<hbm>>
      %dma_wait3A_22 = tpu.memref_squeeze %dma_wait3A_21 : memref<1x64xi32, #tpu.memory_space<hbm>> -> memref<64xi32, #tpu.memory_space<hbm>>
      tpu.wait_dma2 semaphore(%run_scoped3A_14 : memref<!tpu.dma_semaphore, #tpu.memory_space<semaphore_mem>>) src(%dma_wait3A_22 : memref<64xi32, #tpu.memory_space<hbm>>) dst(%arg6 : memref<64xi32, #tpu.memory_space<vmem>>)
      tpu.yield
    }) : () -> ()
    %run_scoped3A_3 = arith.constant 1 : i32
    "tpu.region"() ({
      %run_scoped3A_14 = tpu.sem_alloc : memref<!tpu.dma_semaphore, #tpu.memory_space<semaphore_mem>>
      %dma_start3A_15 = tpu.memref_slice %arg3[%run_scoped3A_3, %mul3A_2] : memref<4x2048xi32, #tpu.memory_space<hbm>> -> memref<1x64xi32, #tpu.memory_space<hbm>>
      %dma_start3A_16 = tpu.memref_squeeze %dma_start3A_15 : memref<1x64xi32, #tpu.memory_space<hbm>> -> memref<64xi32, #tpu.memory_space<hbm>>
      %dma_start3A_17 = tpu.memref_slice %arg3[%run_scoped3A_3, %mul3A_2] : memref<4x2048xi32, #tpu.memory_space<hbm>> -> memref<1x64xi32, #tpu.memory_space<hbm>>
      %dma_start3A_18 = tpu.memref_squeeze %dma_start3A_17 : memref<1x64xi32, #tpu.memory_space<hbm>> -> memref<64xi32, #tpu.memory_space<hbm>>
      tpu.enqueue_dma source(%dma_start3A_18 : memref<64xi32, #tpu.memory_space<hbm>>) target(%arg7 : memref<64xi32, #tpu.memory_space<vmem>>) target_semaphore(%run_scoped3A_14 : memref<!tpu.dma_semaphore, #tpu.memory_space<semaphore_mem>>)
      %dma_wait3A_19 = tpu.memref_slice %arg3[%run_scoped3A_3, %mul3A_2] : memref<4x2048xi32, #tpu.memory_space<hbm>> -> memref<1x64xi32, #tpu.memory_space<hbm>>
      %dma_wait3A_20 = tpu.memref_squeeze %dma_wait3A_19 : memref<1x64xi32, #tpu.memory_space<hbm>> -> memref<64xi32, #tpu.memory_space<hbm>>
      %dma_wait3A_21 = tpu.memref_slice %arg3[%run_scoped3A_3, %mul3A_2] : memref<4x2048xi32, #tpu.memory_space<hbm>> -> memref<1x64xi32, #tpu.memory_space<hbm>>
      %dma_wait3A_22 = tpu.memref_squeeze %dma_wait3A_21 : memref<1x64xi32, #tpu.memory_space<hbm>> -> memref<64xi32, #tpu.memory_space<hbm>>
      tpu.wait_dma2 semaphore(%run_scoped3A_14 : memref<!tpu.dma_semaphore, #tpu.memory_space<semaphore_mem>>) src(%dma_wait3A_22 : memref<64xi32, #tpu.memory_space<hbm>>) dst(%arg7 : memref<64xi32, #tpu.memory_space<vmem>>)
      tpu.yield
    }) : () -> ()
    %dma_start3A = arith.constant 0 : i32
    %dma_start3A_4 = arith.constant 0 : i32
    %dma_start3A_5 = tpu.memref_slice %arg4[%dma_start3A, %dma_start3A_4] : memref<2561x1024xf32, #tpu.memory_space<hbm>> -> memref<2561x1024xf32, #tpu.memory_space<hbm>>
    tpu.enqueue_indirect_dma source(%arg5 : memref<64x1024xf32, #tpu.memory_space<vmem>>) target(%dma_start3A_5 : memref<2561x1024xf32, #tpu.memory_space<hbm>>) offsets(%arg6 : memref<64xi32, #tpu.memory_space<vmem>>) semaphore(%arg8 : memref<!tpu.dma_semaphore, #tpu.memory_space<semaphore_mem>>)
    %dma_start3A_6 = arith.constant 0 : i32
    %dma_start3A_7 = arith.constant 0 : i32
    %dma_start3A_8 = tpu.memref_slice %arg4[%dma_start3A_6, %dma_start3A_7] : memref<2561x1024xf32, #tpu.memory_space<hbm>> -> memref<2561x1024xf32, #tpu.memory_space<hbm>>
    tpu.enqueue_indirect_dma source(%arg5 : memref<64x1024xf32, #tpu.memory_space<vmem>>) target(%dma_start3A_8 : memref<2561x1024xf32, #tpu.memory_space<hbm>>) offsets(%arg7 : memref<64xi32, #tpu.memory_space<vmem>>) semaphore(%arg9 : memref<!tpu.dma_semaphore, #tpu.memory_space<semaphore_mem>>)
    %dma_wait3A = arith.constant 0 : i32
    %dma_wait3A_9 = arith.constant 0 : i32
    %dma_wait3A_10 = tpu.memref_slice %arg4[%dma_wait3A, %dma_wait3A_9] : memref<2561x1024xf32, #tpu.memory_space<hbm>> -> memref<2561x1024xf32, #tpu.memory_space<hbm>>
    tpu.wait_indirect_dma semaphore(%arg8 : memref<!tpu.dma_semaphore, #tpu.memory_space<semaphore_mem>>) src(%arg5 : memref<64x1024xf32, #tpu.memory_space<vmem>>) dst(%dma_wait3A_10 : memref<2561x1024xf32, #tpu.memory_space<hbm>>)
    %dma_wait3A_11 = arith.constant 0 : i32
    %dma_wait3A_12 = arith.constant 0 : i32
    %dma_wait3A_13 = tpu.memref_slice %arg4[%dma_wait3A_11, %dma_wait3A_12] : memref<2561x1024xf32, #tpu.memory_space<hbm>> -> memref<2561x1024xf32, #tpu.memory_space<hbm>>
    tpu.wait_indirect_dma semaphore(%arg9 : memref<!tpu.dma_semaphore, #tpu.memory_space<semaphore_mem>>) src(%arg5 : memref<64x1024xf32, #tpu.memory_space<vmem>>) dst(%dma_wait3A_13 : memref<2561x1024xf32, #tpu.memory_space<hbm>>)
    return
  }
}

module attributes {stable_mosaic.version = 14 : i64} {
  func.func @_router_body(%arg0: memref<2048x1024xf32, #tpu.memory_space<vmem>>, %arg1: memref<8x1024xf32, #tpu.memory_space<vmem>>, %arg2: memref<2048x1xf32, #tpu.memory_space<vmem>>, %arg3: memref<4x2048xi32, #tpu.memory_space<vmem>>, %arg4: memref<2x2048xf32, #tpu.memory_space<vmem>>, %arg5: memref<1x8xf32, #tpu.memory_space<vmem>>, %arg6: memref<1x2xf32, #tpu.memory_space<vmem>>, %arg7: memref<2048x4xf32, #tpu.memory_space<vmem>>) attributes {dimension_semantics = [], scalar_prefetch = 0 : i64, scratch_operands = 0 : i64, tpu.core_type = #tpu.core_type<tc>} {
    %get3A = arith.constant 0 : index
    %get3A_0 = arith.constant 0 : index
    %get3A_1 = vector.load %arg0[%get3A, %get3A_0] : memref<2048x1024xf32, #tpu.memory_space<vmem>>, vector<2048x1024xf32>
    %get3A_2 = arith.constant 0 : index
    %get3A_3 = arith.constant 0 : index
    %get3A_4 = vector.load %arg1[%get3A_2, %get3A_3] : memref<8x1024xf32, #tpu.memory_space<vmem>>, vector<8x1024xf32>
    %dot_general3A = arith.constant dense<0.000000e+00> : vector<2048x8xf32>
    %dot_general3A_5 = tpu.matmul %get3A_1, %get3A_4, %dot_general3A {dimension_numbers = #tpu.dot_dimension_numbers<[1], [1], [0], [0], [0, 0, 1, 0], [], []>, transpose_lhs_hint = false} : vector<2048x1024xf32>, vector<8x1024xf32>, vector<2048x8xf32> -> vector<2048x8xf32>
    %reduce_max3A = arith.constant dense<0xFF800000> : vector<2048xf32>
    %reduce_max3A_6 = vector.multi_reduction <maximumf>, %dot_general3A_5, %reduce_max3A [1] : vector<2048x8xf32> to vector<2048xf32>
    %broadcast_in_dim3A = vector.shape_cast %reduce_max3A_6 : vector<2048xf32> to vector<2048x1xf32>
    %sub3A = vector.broadcast %broadcast_in_dim3A : vector<2048x1xf32> to vector<2048x8xf32>
    %sub3A_7 = arith.subf %dot_general3A_5, %sub3A : vector<2048x8xf32>
    %exp3A = math.exp %sub3A_7 : vector<2048x8xf32>
    %reduce_sum3A = arith.constant dense<0.000000e+00> : vector<2048xf32>
    %reduce_sum3A_8 = vector.multi_reduction <add>, %exp3A, %reduce_sum3A [1] : vector<2048x8xf32> to vector<2048xf32>
    %broadcast_in_dim3A_9 = vector.shape_cast %reduce_sum3A_8 : vector<2048xf32> to vector<2048x1xf32>
    %div3A = vector.broadcast %broadcast_in_dim3A_9 : vector<2048x1xf32> to vector<2048x8xf32>
    %div3A_10 = arith.divf %exp3A, %div3A : vector<2048x8xf32>
    %iota3A = tpu.iota {dimensions = array<i32: 1>} : vector<2048x8xi32>
    %convert_element_type3A = arith.sitofp %iota3A : vector<2048x8xi32> to vector<2048x8xf32>
    %reduce_max3A_11 = arith.constant dense<0xFF800000> : vector<2048xf32>
    %reduce_max3A_12 = vector.multi_reduction <maximumf>, %div3A_10, %reduce_max3A_11 [1] : vector<2048x8xf32> to vector<2048xf32>
    %broadcast_in_dim3A_13 = vector.shape_cast %reduce_max3A_12 : vector<2048xf32> to vector<2048x1xf32>
    %eq3A = vector.broadcast %broadcast_in_dim3A_13 : vector<2048x1xf32> to vector<2048x8xf32>
    %eq3A_14 = arith.cmpf oeq, %div3A_10, %eq3A : vector<2048x8xf32>
    %jit3A = arith.constant 8.000000e+00 : f32
    %broadcast_in_dim3A_15 = vector.broadcast %jit3A : f32 to vector<2048x8xf32>
    %select_n3A = arith.select %eq3A_14, %convert_element_type3A, %broadcast_in_dim3A_15 : vector<2048x8xi1>, vector<2048x8xf32>
    %reduce_min3A = arith.constant dense<0x7F800000> : vector<2048xf32>
    %reduce_min3A_16 = vector.multi_reduction <minimumf>, %select_n3A, %reduce_min3A [1] : vector<2048x8xf32> to vector<2048xf32>
    %broadcast_in_dim3A_17 = vector.shape_cast %reduce_min3A_16 : vector<2048xf32> to vector<2048x1xf32>
    %eq3A_18 = vector.broadcast %broadcast_in_dim3A_17 : vector<2048x1xf32> to vector<2048x8xf32>
    %eq3A_19 = arith.cmpf oeq, %convert_element_type3A, %eq3A_18 : vector<2048x8xf32>
    %convert_element_type3A_20 = arith.extui %eq3A_19 : vector<2048x8xi1> to vector<2048x8xi32>
    %convert_element_type3A_21 = arith.sitofp %convert_element_type3A_20 : vector<2048x8xi32> to vector<2048x8xf32>
    %gt3A = arith.constant 0.000000e+00 : f32
    %gt3A_22 = vector.broadcast %gt3A : f32 to vector<2048x8xf32>
    %gt3A_23 = arith.cmpf ogt, %convert_element_type3A_21, %gt3A_22 : vector<2048x8xf32>
    %jit3A_24 = arith.constant -1.000000e+00 : f32
    %broadcast_in_dim3A_25 = vector.broadcast %jit3A_24 : f32 to vector<2048x8xf32>
    %select_n3A_26 = arith.select %gt3A_23, %broadcast_in_dim3A_25, %div3A_10 : vector<2048x8xi1>, vector<2048x8xf32>
    %reduce_max3A_27 = arith.constant dense<0xFF800000> : vector<2048xf32>
    %reduce_max3A_28 = vector.multi_reduction <maximumf>, %select_n3A_26, %reduce_max3A_27 [1] : vector<2048x8xf32> to vector<2048xf32>
    %broadcast_in_dim3A_29 = vector.shape_cast %reduce_max3A_28 : vector<2048xf32> to vector<2048x1xf32>
    %eq3A_30 = vector.broadcast %broadcast_in_dim3A_29 : vector<2048x1xf32> to vector<2048x8xf32>
    %eq3A_31 = arith.cmpf oeq, %select_n3A_26, %eq3A_30 : vector<2048x8xf32>
    %jit3A_32 = arith.constant 8.000000e+00 : f32
    %broadcast_in_dim3A_33 = vector.broadcast %jit3A_32 : f32 to vector<2048x8xf32>
    %select_n3A_34 = arith.select %eq3A_31, %convert_element_type3A, %broadcast_in_dim3A_33 : vector<2048x8xi1>, vector<2048x8xf32>
    %reduce_min3A_35 = arith.constant dense<0x7F800000> : vector<2048xf32>
    %reduce_min3A_36 = vector.multi_reduction <minimumf>, %select_n3A_34, %reduce_min3A_35 [1] : vector<2048x8xf32> to vector<2048xf32>
    %broadcast_in_dim3A_37 = vector.shape_cast %reduce_min3A_36 : vector<2048xf32> to vector<2048x1xf32>
    %eq3A_38 = vector.broadcast %broadcast_in_dim3A_37 : vector<2048x1xf32> to vector<2048x8xf32>
    %eq3A_39 = arith.cmpf oeq, %convert_element_type3A, %eq3A_38 : vector<2048x8xf32>
    %convert_element_type3A_40 = arith.extui %eq3A_39 : vector<2048x8xi1> to vector<2048x8xi32>
    %convert_element_type3A_41 = arith.sitofp %convert_element_type3A_40 : vector<2048x8xi32> to vector<2048x8xf32>
    %add3A = arith.addf %broadcast_in_dim3A_13, %broadcast_in_dim3A_29 : vector<2048x1xf32>
    %max3A = arith.constant 9.99999971E-10 : f32
    %max3A_42 = vector.broadcast %max3A : f32 to vector<2048x1xf32>
    %max3A_43 = arith.maximumf %add3A, %max3A_42 : vector<2048x1xf32>
    %div3A_44 = arith.divf %broadcast_in_dim3A_13, %max3A_43 : vector<2048x1xf32>
    %div3A_45 = arith.divf %broadcast_in_dim3A_29, %max3A_43 : vector<2048x1xf32>
    %get3A_46 = arith.constant 0 : index
    %get3A_47 = arith.constant 0 : index
    %get3A_48 = vector.load %arg2[%get3A_46, %get3A_47] : memref<2048x1xf32, #tpu.memory_space<vmem>>, vector<2048x1xf32>
    %div3A_49 = arith.constant 2.000000e-01 : f32
    %div3A_50 = vector.broadcast %div3A_49 : f32 to vector<2048x1xf32>
    %div3A_51 = arith.divf %div3A_45, %div3A_50 : vector<2048x1xf32>
    %lt3A = arith.cmpf olt, %get3A_48, %div3A_51 : vector<2048x1xf32>
    %convert_element_type3A_52 = arith.extui %lt3A : vector<2048x1xi1> to vector<2048x1xi32>
    %convert_element_type3A_53 = arith.sitofp %convert_element_type3A_52 : vector<2048x1xi32> to vector<2048x1xf32>
    %mul3A = vector.broadcast %convert_element_type3A_53 : vector<2048x1xf32> to vector<2048x8xf32>
    %mul3A_54 = arith.mulf %convert_element_type3A_41, %mul3A : vector<2048x8xf32>
    %iota3A_55 = tpu.iota {dimensions = array<i32: 0>} : vector<2048x2048xi32>
    %iota3A_56 = tpu.iota {dimensions = array<i32: 1>} : vector<2048x2048xi32>
    %lt3A_57 = arith.cmpi slt, %iota3A_56, %iota3A_55 : vector<2048x2048xi32>
    %convert_element_type3A_58 = arith.extui %lt3A_57 : vector<2048x2048xi1> to vector<2048x2048xi32>
    %convert_element_type3A_59 = arith.sitofp %convert_element_type3A_58 : vector<2048x2048xi32> to vector<2048x2048xf32>
    %dot_general3A_60 = arith.constant dense<0.000000e+00> : vector<2048x8xf32>
    %dot_general3A_61 = tpu.matmul %convert_element_type3A_59, %convert_element_type3A_21, %dot_general3A_60 {dimension_numbers = #tpu.dot_dimension_numbers<[1], [0], [0], [1], [0, 0, 1, 1], [], []>, transpose_lhs_hint = false} : vector<2048x2048xf32>, vector<2048x8xf32>, vector<2048x8xf32> -> vector<2048x8xf32>
    %dot_general3A_62 = arith.constant dense<0.000000e+00> : vector<2048x8xf32>
    %dot_general3A_63 = tpu.matmul %convert_element_type3A_59, %mul3A_54, %dot_general3A_62 {dimension_numbers = #tpu.dot_dimension_numbers<[1], [0], [0], [1], [0, 0, 1, 1], [], []>, transpose_lhs_hint = false} : vector<2048x2048xf32>, vector<2048x8xf32>, vector<2048x8xf32> -> vector<2048x8xf32>
    %mul3A_64 = arith.mulf %dot_general3A_61, %convert_element_type3A_21 : vector<2048x8xf32>
    %lt3A_65 = arith.constant 3.200000e+02 : f32
    %lt3A_66 = vector.broadcast %lt3A_65 : f32 to vector<2048x8xf32>
    %lt3A_67 = arith.cmpf olt, %mul3A_64, %lt3A_66 : vector<2048x8xf32>
    %convert_element_type3A_68 = arith.extui %lt3A_67 : vector<2048x8xi1> to vector<2048x8xi32>
    %convert_element_type3A_69 = arith.sitofp %convert_element_type3A_68 : vector<2048x8xi32> to vector<2048x8xf32>
    %mul3A_70 = arith.mulf %convert_element_type3A_21, %convert_element_type3A_69 : vector<2048x8xf32>
    %reduce_sum3A_71 = arith.constant dense<0.000000e+00> : vector<8xf32>
    %reduce_sum3A_72 = vector.multi_reduction <add>, %mul3A_70, %reduce_sum3A_71 [0] : vector<2048x8xf32> to vector<8xf32>
    %broadcast_in_dim3A_73 = vector.shape_cast %reduce_sum3A_72 : vector<8xf32> to vector<1x8xf32>
    %add3A_74 = vector.broadcast %broadcast_in_dim3A_73 : vector<1x8xf32> to vector<2048x8xf32>
    %add3A_75 = arith.addf %dot_general3A_63, %add3A_74 : vector<2048x8xf32>
    %mul3A_76 = arith.mulf %add3A_75, %mul3A_54 : vector<2048x8xf32>
    %lt3A_77 = arith.constant 3.200000e+02 : f32
    %lt3A_78 = vector.broadcast %lt3A_77 : f32 to vector<2048x8xf32>
    %lt3A_79 = arith.cmpf olt, %mul3A_76, %lt3A_78 : vector<2048x8xf32>
    %convert_element_type3A_80 = arith.extui %lt3A_79 : vector<2048x8xi1> to vector<2048x8xi32>
    %convert_element_type3A_81 = arith.sitofp %convert_element_type3A_80 : vector<2048x8xi32> to vector<2048x8xf32>
    %mul3A_82 = arith.mulf %mul3A_54, %convert_element_type3A_81 : vector<2048x8xf32>
    %reduce_sum3A_83 = arith.constant dense<0.000000e+00> : vector<8xf32>
    %reduce_sum3A_84 = vector.multi_reduction <add>, %mul3A_82, %reduce_sum3A_83 [0] : vector<2048x8xf32> to vector<8xf32>
    %broadcast_in_dim3A_85 = vector.shape_cast %reduce_sum3A_84 : vector<8xf32> to vector<1x8xf32>
    %reduce_sum3A_86 = arith.constant dense<0.000000e+00> : vector<2048xf32>
    %reduce_sum3A_87 = vector.multi_reduction <add>, %mul3A_70, %reduce_sum3A_86 [1] : vector<2048x8xf32> to vector<2048xf32>
    %broadcast_in_dim3A_88 = vector.shape_cast %reduce_sum3A_87 : vector<2048xf32> to vector<2048x1xf32>
    %reduce_sum3A_89 = arith.constant dense<0.000000e+00> : vector<2048xf32>
    %reduce_sum3A_90 = vector.multi_reduction <add>, %mul3A_82, %reduce_sum3A_89 [1] : vector<2048x8xf32> to vector<2048xf32>
    %broadcast_in_dim3A_91 = vector.shape_cast %reduce_sum3A_90 : vector<2048xf32> to vector<2048x1xf32>
    %reduce_sum3A_92 = arith.constant dense<0.000000e+00> : vector<2048xf32>
    %reduce_sum3A_93 = vector.multi_reduction <add>, %mul3A_64, %reduce_sum3A_92 [1] : vector<2048x8xf32> to vector<2048xf32>
    %broadcast_in_dim3A_94 = vector.shape_cast %reduce_sum3A_93 : vector<2048xf32> to vector<2048x1xf32>
    %reduce_sum3A_95 = arith.constant dense<0.000000e+00> : vector<2048xf32>
    %reduce_sum3A_96 = vector.multi_reduction <add>, %mul3A_76, %reduce_sum3A_95 [1] : vector<2048x8xf32> to vector<2048xf32>
    %broadcast_in_dim3A_97 = vector.shape_cast %reduce_sum3A_96 : vector<2048xf32> to vector<2048x1xf32>
    %mul3A_98 = arith.mulf %div3A_44, %broadcast_in_dim3A_88 : vector<2048x1xf32>
    %mul3A_99 = arith.mulf %div3A_45, %broadcast_in_dim3A_91 : vector<2048x1xf32>
    %mul3A_100 = arith.constant 3.200000e+02 : f32
    %mul3A_101 = vector.broadcast %mul3A_100 : f32 to vector<2048x1xf32>
    %mul3A_102 = arith.mulf %broadcast_in_dim3A_17, %mul3A_101 : vector<2048x1xf32>
    %add3A_103 = arith.addf %mul3A_102, %broadcast_in_dim3A_94 : vector<2048x1xf32>
    %mul3A_104 = arith.constant 3.200000e+02 : f32
    %mul3A_105 = vector.broadcast %mul3A_104 : f32 to vector<2048x1xf32>
    %mul3A_106 = arith.mulf %broadcast_in_dim3A_37, %mul3A_105 : vector<2048x1xf32>
    %add3A_107 = arith.addf %mul3A_106, %broadcast_in_dim3A_97 : vector<2048x1xf32>
    %gt3A_108 = arith.constant 0.000000e+00 : f32
    %gt3A_109 = vector.broadcast %gt3A_108 : f32 to vector<2048x1xf32>
    %gt3A_110 = arith.cmpf ogt, %broadcast_in_dim3A_88, %gt3A_109 : vector<2048x1xf32>
    %jit3A_111 = arith.constant 2.560000e+03 : f32
    %broadcast_in_dim3A_112 = vector.broadcast %jit3A_111 : f32 to vector<2048x1xf32>
    %select_n3A_113 = arith.select %gt3A_110, %add3A_103, %broadcast_in_dim3A_112 : vector<2048x1xi1>, vector<2048x1xf32>
    %gt3A_114 = arith.constant 0.000000e+00 : f32
    %gt3A_115 = vector.broadcast %gt3A_114 : f32 to vector<2048x1xf32>
    %gt3A_116 = arith.cmpf ogt, %broadcast_in_dim3A_91, %gt3A_115 : vector<2048x1xf32>
    %jit3A_117 = arith.constant 2.560000e+03 : f32
    %broadcast_in_dim3A_118 = vector.broadcast %jit3A_117 : f32 to vector<2048x1xf32>
    %select_n3A_119 = arith.select %gt3A_116, %add3A_107, %broadcast_in_dim3A_118 : vector<2048x1xi1>, vector<2048x1xf32>
    %gt3A_120 = arith.constant 0.000000e+00 : f32
    %gt3A_121 = vector.broadcast %gt3A_120 : f32 to vector<2048x1xf32>
    %gt3A_122 = arith.cmpf ogt, %broadcast_in_dim3A_88, %gt3A_121 : vector<2048x1xf32>
    %jit3A_123 = arith.constant 0.000000e+00 : f32
    %broadcast_in_dim3A_124 = vector.broadcast %jit3A_123 : f32 to vector<2048x1xf32>
    %select_n3A_125 = arith.select %gt3A_122, %add3A_103, %broadcast_in_dim3A_124 : vector<2048x1xi1>, vector<2048x1xf32>
    %gt3A_126 = arith.constant 0.000000e+00 : f32
    %gt3A_127 = vector.broadcast %gt3A_126 : f32 to vector<2048x1xf32>
    %gt3A_128 = arith.cmpf ogt, %broadcast_in_dim3A_91, %gt3A_127 : vector<2048x1xf32>
    %jit3A_129 = arith.constant 0.000000e+00 : f32
    %broadcast_in_dim3A_130 = vector.broadcast %jit3A_129 : f32 to vector<2048x1xf32>
    %select_n3A_131 = arith.select %gt3A_128, %add3A_107, %broadcast_in_dim3A_130 : vector<2048x1xi1>, vector<2048x1xf32>
    %concatenate3A = tpu.concatenate %select_n3A_113, %select_n3A_119, %select_n3A_125, %select_n3A_131, %mul3A_98, %mul3A_99, %broadcast_in_dim3A_88, %broadcast_in_dim3A_91 in 1 : vector<2048x1xf32>, vector<2048x1xf32>, vector<2048x1xf32>, vector<2048x1xf32>, vector<2048x1xf32>, vector<2048x1xf32>, vector<2048x1xf32>, vector<2048x1xf32> -> vector<2048x8xf32>
    %transpose3A = tpu.transpose %concatenate3A, [1, 0] : vector<2048x8xf32> -> vector<8x2048xf32>
    %slice3A = vector.extract_strided_slice %transpose3A {offsets = [0, 0], sizes = [4, 2048], strides = [1, 1]} : vector<8x2048xf32> to vector<4x2048xf32>
    %convert_element_type3A_132 = arith.fptosi %slice3A : vector<4x2048xf32> to vector<4x2048xi32>
    %swap3A = arith.constant 0 : index
    %swap3A_133 = arith.constant 0 : index
    %swap3A_134 = vector.load %arg3[%swap3A, %swap3A_133] : memref<4x2048xi32, #tpu.memory_space<vmem>>, vector<4x2048xi32>
    tpu.vector_store %arg3[%swap3A, %swap3A_133], %convert_element_type3A_132 {strides = array<i32>} : memref<4x2048xi32, #tpu.memory_space<vmem>>, vector<4x2048xi32>,
    %slice3A_135 = vector.extract_strided_slice %transpose3A {offsets = [4, 0], sizes = [2, 2048], strides = [1, 1]} : vector<8x2048xf32> to vector<2x2048xf32>
    %swap3A_136 = arith.constant 0 : index
    %swap3A_137 = arith.constant 0 : index
    %swap3A_138 = vector.load %arg4[%swap3A_136, %swap3A_137] : memref<2x2048xf32, #tpu.memory_space<vmem>>, vector<2x2048xf32>
    tpu.vector_store %arg4[%swap3A_136, %swap3A_137], %slice3A_135 {strides = array<i32>} : memref<2x2048xf32, #tpu.memory_space<vmem>>, vector<2x2048xf32>,
    %add3A_139 = arith.addf %broadcast_in_dim3A_73, %broadcast_in_dim3A_85 : vector<1x8xf32>
    %swap3A_140 = arith.constant 0 : index
    %swap3A_141 = arith.constant 0 : index
    %swap3A_142 = vector.load %arg5[%swap3A_140, %swap3A_141] : memref<1x8xf32, #tpu.memory_space<vmem>>, vector<1x8xf32>
    tpu.vector_store %arg5[%swap3A_140, %swap3A_141], %add3A_139 {strides = array<i32>} : memref<1x8xf32, #tpu.memory_space<vmem>>, vector<1x8xf32>,
    %concatenate3A_143 = tpu.concatenate %select_n3A_113, %select_n3A_119, %mul3A_98, %mul3A_99 in 1 : vector<2048x1xf32>, vector<2048x1xf32>, vector<2048x1xf32>, vector<2048x1xf32> -> vector<2048x4xf32>
    %swap3A_144 = arith.constant 0 : index
    %swap3A_145 = arith.constant 0 : index
    %swap3A_146 = vector.load %arg7[%swap3A_144, %swap3A_145] : memref<2048x4xf32, #tpu.memory_space<vmem>>, vector<2048x4xf32>
    tpu.vector_store %arg7[%swap3A_144, %swap3A_145], %concatenate3A_143 {strides = array<i32>} : memref<2048x4xf32, #tpu.memory_space<vmem>>, vector<2048x4xf32>,
    %reduce_sum3A_147 = arith.constant dense<0.000000e+00> : vector<8xf32>
    %reduce_sum3A_148 = vector.multi_reduction <add>, %convert_element_type3A_21, %reduce_sum3A_147 [0] : vector<2048x8xf32> to vector<8xf32>
    %broadcast_in_dim3A_149 = vector.shape_cast %reduce_sum3A_148 : vector<8xf32> to vector<1x8xf32>
    %div3A_150 = arith.constant 2.048000e+03 : f32
    %div3A_151 = vector.broadcast %div3A_150 : f32 to vector<1x8xf32>
    %div3A_152 = arith.divf %broadcast_in_dim3A_149, %div3A_151 : vector<1x8xf32>
    %reduce_sum3A_153 = arith.constant dense<0.000000e+00> : vector<8xf32>
    %reduce_sum3A_154 = vector.multi_reduction <add>, %div3A_10, %reduce_sum3A_153 [0] : vector<2048x8xf32> to vector<8xf32>
    %broadcast_in_dim3A_155 = vector.shape_cast %reduce_sum3A_154 : vector<8xf32> to vector<1x8xf32>
    %div3A_156 = arith.constant 2.048000e+03 : f32
    %div3A_157 = vector.broadcast %div3A_156 : f32 to vector<1x8xf32>
    %div3A_158 = arith.divf %broadcast_in_dim3A_155, %div3A_157 : vector<1x8xf32>
    %mul3A_159 = arith.mulf %div3A_152, %div3A_158 : vector<1x8xf32>
    %reduce_sum3A_160 = vector.shape_cast %mul3A_159 : vector<1x8xf32> to vector<1x1x8xf32>
    %reduce_sum3A_161 = arith.constant dense<0.000000e+00> : vector<1xf32>
    %reduce_sum3A_162 = vector.multi_reduction <add>, %reduce_sum3A_160, %reduce_sum3A_161 [1, 2] : vector<1x1x8xf32> to vector<1xf32>
    %reduce_sum3A_163 = vector.shape_cast %reduce_sum3A_162 : vector<1xf32> to vector<1x1x1xf32>
    %reduce_sum3A_164 = vector.extract %reduce_sum3A_163[0, 0, 0] : f32 from vector<1x1x1xf32>
    %div3A_165 = arith.constant 8.000000e+00 : f32
    %div3A_166 = arith.divf %reduce_sum3A_164, %div3A_165 : f32
    %mul3A_167 = arith.constant 6.400000e+01 : f32
    %mul3A_168 = arith.mulf %div3A_166, %mul3A_167 : f32
    %log3A = math.log %broadcast_in_dim3A_9 : vector<2048x1xf32>
    %add3A_169 = arith.addf %broadcast_in_dim3A, %log3A : vector<2048x1xf32>
    %mul3A_170 = arith.mulf %add3A_169, %add3A_169 : vector<2048x1xf32>
    %reduce_sum3A_171 = vector.shape_cast %mul3A_170 : vector<2048x1xf32> to vector<1x2048x1xf32>
    %reduce_sum3A_172 = arith.constant dense<0.000000e+00> : vector<1xf32>
    %reduce_sum3A_173 = vector.multi_reduction <add>, %reduce_sum3A_171, %reduce_sum3A_172 [1, 2] : vector<1x2048x1xf32> to vector<1xf32>
    %reduce_sum3A_174 = vector.shape_cast %reduce_sum3A_173 : vector<1xf32> to vector<1x1x1xf32>
    %reduce_sum3A_175 = vector.extract %reduce_sum3A_174[0, 0, 0] : f32 from vector<1x1x1xf32>
    %div3A_176 = arith.constant 2.048000e+03 : f32
    %div3A_177 = arith.divf %reduce_sum3A_175, %div3A_176 : f32
    %reshape3A = vector.broadcast %mul3A_168 : f32 to vector<1x1xf32>
    %reshape3A_178 = vector.broadcast %div3A_177 : f32 to vector<1x1xf32>
    %concatenate3A_179 = tpu.concatenate %reshape3A, %reshape3A_178 in 1 : vector<1x1xf32>, vector<1x1xf32> -> vector<1x2xf32>
    %swap3A_180 = arith.constant 0 : index
    %swap3A_181 = arith.constant 0 : index
    %swap3A_182 = vector.load %arg6[%swap3A_180, %swap3A_181] : memref<1x2xf32, #tpu.memory_space<vmem>>, vector<1x2xf32>
    tpu.vector_store %arg6[%swap3A_180, %swap3A_181], %concatenate3A_179 {strides = array<i32>} : memref<1x2xf32, #tpu.memory_space<vmem>>, vector<1x2xf32>,
    return
  }
}

module attributes {stable_mosaic.version = 14 : i64} {
  func.func @_ffn_body(%arg0: i32, %arg1: i32, %arg2: memref<1x8xf32, #tpu.memory_space<smem>>, %arg3: memref<320x1024xf32, #tpu.memory_space<vmem>>, %arg4: memref<1x5460x512xf32, #tpu.memory_space<vmem>>, %arg5: memref<8x5460xf32, #tpu.memory_space<vmem>>, %arg6: memref<8x2730xf32, #tpu.memory_space<vmem>>, %arg7: memref<1x512x2730xf32, #tpu.memory_space<vmem>>, %arg8: memref<8x1024xf32, #tpu.memory_space<vmem>>, %arg9: memref<2048x4xf32, #tpu.memory_space<vmem>>, %arg10: memref<2048x1024xf32, #tpu.memory_space<any>>, %arg11: memref<320x5460xf32, #tpu.memory_space<vmem>>, %arg12: memref<320x2730xf32, #tpu.memory_space<vmem>>, %arg13: memref<2048x1024xf32, #tpu.memory_space<vmem>>, %arg14: memref<!tpu.dma_semaphore, #tpu.memory_space<semaphore_mem>>) attributes {dimension_semantics = [#tpu.dimension_semantics<arbitrary>, #tpu.dimension_semantics<arbitrary>], iteration_bounds = array<i64: 8, 3>, scalar_prefetch = 0 : i64, scratch_operands = 4 : i64, tpu.core_type = #tpu.core_type<tc>, window_params = [{transform_indices = @transform_0, window_bounds = array<i64: 1, 8>}, {transform_indices = @transform_1, window_bounds = array<i64: 320, 1024>}, {transform_indices = @transform_2, window_bounds = array<i64: 1, 5460, 512>}, {pipeline_mode = #tpu.pipeline_mode<synchronous>, transform_indices = @transform_3, window_bounds = array<i64: 8, 5460>}, {pipeline_mode = #tpu.pipeline_mode<synchronous>, transform_indices = @transform_4, window_bounds = array<i64: 8, 2730>}, {transform_indices = @transform_5, window_bounds = array<i64: 1, 512, 2730>}, {pipeline_mode = #tpu.pipeline_mode<synchronous>, transform_indices = @transform_6, window_bounds = array<i64: 8, 1024>}, {pipeline_mode = #tpu.pipeline_mode<synchronous>, transform_indices = @transform_7, window_bounds = array<i64: 2048, 4>}, {}]} {
    %get3A = arith.constant 0 : index
    %get3A_0 = arith.index_cast %arg0 : i32 to index
    %get3A_1 = memref.load %arg2[%get3A, %get3A_0] : memref<1x8xf32, #tpu.memory_space<smem>>
    %iota3A = tpu.iota {dimensions = array<i32: 0>} : vector<320x1xi32>
    %convert_element_type3A = arith.sitofp %iota3A : vector<320x1xi32> to vector<320x1xf32>
    %lt3A = vector.broadcast %get3A_1 : f32 to vector<320x1xf32>
    %lt3A_2 = arith.cmpf olt, %convert_element_type3A, %lt3A : vector<320x1xf32>
    %get3A_3 = arith.constant 0 : index
    %get3A_4 = arith.constant 0 : index
    %get3A_5 = vector.load %arg3[%get3A_3, %get3A_4] : memref<320x1024xf32, #tpu.memory_space<vmem>>, vector<320x1024xf32>
    %jit3A = arith.constant 0.000000e+00 : f32
    %broadcast_in_dim3A = vector.shape_cast %lt3A_2 : vector<320x1xi1> to vector<320x1xi1>
    %broadcast_in_dim3A_6 = vector.broadcast %broadcast_in_dim3A : vector<320x1xi1> to vector<320x1024xi1>
    %broadcast_in_dim3A_7 = vector.broadcast %jit3A : f32 to vector<320x1024xf32>
    %select_n3A = arith.select %broadcast_in_dim3A_6, %get3A_5, %broadcast_in_dim3A_7 : vector<320x1024xi1>, vector<320x1024xf32>
    %iota3A_8 = tpu.iota {dimensions = array<i32: 0>} : vector<8x1xi32>
    %eq3A = vector.broadcast %arg0 : i32 to vector<8x1xi32>
    %eq3A_9 = arith.cmpi eq, %iota3A_8, %eq3A : vector<8x1xi32>
    %convert_element_type3A_10 = arith.extui %eq3A_9 : vector<8x1xi1> to vector<8x1xi32>
    %convert_element_type3A_11 = arith.sitofp %convert_element_type3A_10 : vector<8x1xi32> to vector<8x1xf32>
    %eq3A_12 = arith.constant 0 : i32
    %eq3A_13 = arith.cmpi eq, %arg0, %eq3A_12 : i32
    %eq3A_14 = arith.constant 0 : i32
    %eq3A_15 = arith.cmpi eq, %arg1, %eq3A_14 : i32
    %and3A = arith.andi %eq3A_13, %eq3A_15 : i1
    %convert_element_type3A_16 = arith.extui %and3A : i1 to i32
    %cond3A = arith.constant 0 : i32
    %cond3A_17 = arith.cmpi ne, %convert_element_type3A_16, %cond3A : i32
    scf.if %cond3A_17 {
      %broadcast_in_dim3A_40 = arith.constant 0.000000e+00 : f32
      %broadcast_in_dim3A_41 = vector.broadcast %broadcast_in_dim3A_40 : f32 to vector<2048x1024xf32>
      %swap3A = arith.constant 0 : index
      %swap3A_42 = arith.constant 0 : index
      %swap3A_43 = vector.load %arg13[%swap3A, %swap3A_42] : memref<2048x1024xf32, #tpu.memory_space<vmem>>, vector<2048x1024xf32>
      tpu.vector_store %arg13[%swap3A, %swap3A_42], %broadcast_in_dim3A_41 {strides = array<i32>} : memref<2048x1024xf32, #tpu.memory_space<vmem>>, vector<2048x1024xf32>,
    } else {
    }
    %eq3A_18 = arith.constant 0 : i32
    %eq3A_19 = arith.cmpi eq, %arg1, %eq3A_18 : i32
    %convert_element_type3A_20 = arith.extui %eq3A_19 : i1 to i32
    %cond3A_21 = arith.constant 0 : i32
    %cond3A_22 = arith.cmpi ne, %convert_element_type3A_20, %cond3A_21 : i32
    scf.if %cond3A_22 {
      %slice3A = vector.extract_strided_slice %select_n3A {offsets = [0, 0], sizes = [320, 512], strides = [1, 1]} : vector<320x1024xf32> to vector<320x512xf32>
      %get3A_40 = arith.constant 0 : index
      %get3A_41 = arith.constant 0 : index
      %get3A_42 = arith.constant 0 : index
      %get3A_43 = vector.load %arg4[%get3A_40, %get3A_41, %get3A_42] : memref<1x5460x512xf32, #tpu.memory_space<vmem>>, vector<1x5460x512xf32>
      %get3A_44 = vector.shape_cast %get3A_43 : vector<1x5460x512xf32> to vector<5460x512xf32>
      %dot_general3A = arith.constant dense<0.000000e+00> : vector<320x5460xf32>
      %dot_general3A_45 = tpu.matmul %slice3A, %get3A_44, %dot_general3A {dimension_numbers = #tpu.dot_dimension_numbers<[1], [1], [0], [0], [0, 0, 1, 0], [], []>, transpose_lhs_hint = false} : vector<320x512xf32>, vector<5460x512xf32>, vector<320x5460xf32> -> vector<320x5460xf32>
      %swap3A = arith.constant 0 : index
      %swap3A_46 = arith.constant 0 : index
      %swap3A_47 = vector.load %arg11[%swap3A, %swap3A_46] : memref<320x5460xf32, #tpu.memory_space<vmem>>, vector<320x5460xf32>
      tpu.vector_store %arg11[%swap3A, %swap3A_46], %dot_general3A_45 {strides = array<i32>} : memref<320x5460xf32, #tpu.memory_space<vmem>>, vector<320x5460xf32>,
    } else {
    }
    %eq3A_23 = arith.constant 1 : i32
    %eq3A_24 = arith.cmpi eq, %arg1, %eq3A_23 : i32
    %convert_element_type3A_25 = arith.extui %eq3A_24 : i1 to i32
    %cond3A_26 = arith.constant 0 : i32
    %cond3A_27 = arith.cmpi ne, %convert_element_type3A_25, %cond3A_26 : i32
    scf.if %cond3A_27 {
      %get3A_40 = arith.constant 0 : index
      %get3A_41 = arith.constant 0 : index
      %get3A_42 = vector.load %arg5[%get3A_40, %get3A_41] : memref<8x5460xf32, #tpu.memory_space<vmem>>, vector<8x5460xf32>
      %mul3A = vector.broadcast %convert_element_type3A_11 : vector<8x1xf32> to vector<8x5460xf32>
      %mul3A_43 = arith.mulf %get3A_42, %mul3A : vector<8x5460xf32>
      %reduce_sum3A = arith.constant dense<0.000000e+00> : vector<5460xf32>
      %reduce_sum3A_44 = vector.multi_reduction <add>, %mul3A_43, %reduce_sum3A [0] : vector<8x5460xf32> to vector<5460xf32>
      %broadcast_in_dim3A_45 = vector.shape_cast %reduce_sum3A_44 : vector<5460xf32> to vector<1x5460xf32>
      %get3A_46 = arith.constant 0 : index
      %get3A_47 = arith.constant 0 : index
      %get3A_48 = vector.load %arg6[%get3A_46, %get3A_47] : memref<8x2730xf32, #tpu.memory_space<vmem>>, vector<8x2730xf32>
      %mul3A_49 = vector.broadcast %convert_element_type3A_11 : vector<8x1xf32> to vector<8x2730xf32>
      %mul3A_50 = arith.mulf %get3A_48, %mul3A_49 : vector<8x2730xf32>
      %reduce_sum3A_51 = arith.constant dense<0.000000e+00> : vector<2730xf32>
      %reduce_sum3A_52 = vector.multi_reduction <add>, %mul3A_50, %reduce_sum3A_51 [0] : vector<8x2730xf32> to vector<2730xf32>
      %broadcast_in_dim3A_53 = vector.shape_cast %reduce_sum3A_52 : vector<2730xf32> to vector<1x2730xf32>
      %get3A_54 = arith.constant 0 : index
      %get3A_55 = arith.constant 0 : index
      %get3A_56 = vector.load %arg11[%get3A_54, %get3A_55] : memref<320x5460xf32, #tpu.memory_space<vmem>>, vector<320x5460xf32>
      %slice3A = vector.extract_strided_slice %select_n3A {offsets = [0, 512], sizes = [320, 512], strides = [1, 1]} : vector<320x1024xf32> to vector<320x512xf32>
      %get3A_57 = arith.constant 0 : index
      %get3A_58 = arith.constant 0 : index
      %get3A_59 = arith.constant 0 : index
      %get3A_60 = vector.load %arg4[%get3A_57, %get3A_58, %get3A_59] : memref<1x5460x512xf32, #tpu.memory_space<vmem>>, vector<1x5460x512xf32>
      %get3A_61 = vector.shape_cast %get3A_60 : vector<1x5460x512xf32> to vector<5460x512xf32>
      %dot_general3A = arith.constant dense<0.000000e+00> : vector<320x5460xf32>
      %dot_general3A_62 = tpu.matmul %slice3A, %get3A_61, %dot_general3A {dimension_numbers = #tpu.dot_dimension_numbers<[1], [1], [0], [0], [0, 0, 1, 0], [], []>, transpose_lhs_hint = false} : vector<320x512xf32>, vector<5460x512xf32>, vector<320x5460xf32> -> vector<320x5460xf32>
      %add3A = arith.addf %get3A_56, %dot_general3A_62 : vector<320x5460xf32>
      %add3A_63 = vector.broadcast %broadcast_in_dim3A_45 : vector<1x5460xf32> to vector<320x5460xf32>
      %add3A_64 = arith.addf %add3A, %add3A_63 : vector<320x5460xf32>
      %slice3A_65 = vector.extract_strided_slice %add3A_64 {offsets = [0, 2730], sizes = [320, 2730], strides = [1, 1]} : vector<320x5460xf32> to vector<320x2730xf32>
      %mul3A_66 = arith.constant 5.000000e-01 : f32
      %mul3A_67 = vector.broadcast %mul3A_66 : f32 to vector<320x2730xf32>
      %mul3A_68 = arith.mulf %mul3A_67, %slice3A_65 : vector<320x2730xf32>
      %mul3A_69 = arith.constant 0.168358758 : f32
      %mul3A_70 = vector.broadcast %mul3A_69 : f32 to vector<320x2730xf32>
      %mul3A_71 = arith.mulf %slice3A_65, %mul3A_70 : vector<320x2730xf32>
      %jit3A_72 = arith.constant -1.000000e+00 : f32
      %jit3A_73 = arith.constant 1.000000e+00 : f32
      %max3A = vector.broadcast %jit3A_72 : f32 to vector<320x2730xf32>
      %max3A_74 = arith.maximumf %max3A, %mul3A_71 : vector<320x2730xf32>
      %min3A = vector.broadcast %jit3A_73 : f32 to vector<320x2730xf32>
      %min3A_75 = arith.minimumf %min3A, %max3A_74 : vector<320x2730xf32>
      %mul3A_76 = arith.mulf %min3A_75, %min3A_75 : vector<320x2730xf32>
      %broadcast_in_dim3A_77 = arith.constant 219.126953 : f32
      %broadcast_in_dim3A_78 = vector.broadcast %broadcast_in_dim3A_77 : f32 to vector<320x2730xf32>
      %mul3A_79 = arith.mulf %broadcast_in_dim3A_78, %mul3A_76 : vector<320x2730xf32>
      %add3A_80 = arith.constant -1285.65625 : f32
      %add3A_81 = vector.broadcast %add3A_80 : f32 to vector<320x2730xf32>
      %add3A_82 = arith.addf %mul3A_79, %add3A_81 : vector<320x2730xf32>
      %mul3A_83 = arith.mulf %add3A_82, %mul3A_76 : vector<320x2730xf32>
      %add3A_84 = arith.constant 3329.32031 : f32
      %add3A_85 = vector.broadcast %add3A_84 : f32 to vector<320x2730xf32>
      %add3A_86 = arith.addf %mul3A_83, %add3A_85 : vector<320x2730xf32>
      %mul3A_87 = arith.mulf %add3A_86, %mul3A_76 : vector<320x2730xf32>
      %add3A_88 = arith.constant -5025.63867 : f32
      %add3A_89 = vector.broadcast %add3A_88 : f32 to vector<320x2730xf32>
      %add3A_90 = arith.addf %mul3A_87, %add3A_89 : vector<320x2730xf32>
      %mul3A_91 = arith.mulf %add3A_90, %mul3A_76 : vector<320x2730xf32>
      %add3A_92 = arith.constant 4.927750e+03 : f32
      %add3A_93 = vector.broadcast %add3A_92 : f32 to vector<320x2730xf32>
      %add3A_94 = arith.addf %mul3A_91, %add3A_93 : vector<320x2730xf32>
      %mul3A_95 = arith.mulf %add3A_94, %mul3A_76 : vector<320x2730xf32>
      %add3A_96 = arith.constant -3318.83472 : f32
      %add3A_97 = vector.broadcast %add3A_96 : f32 to vector<320x2730xf32>
      %add3A_98 = arith.addf %mul3A_95, %add3A_97 : vector<320x2730xf32>
      %mul3A_99 = arith.mulf %add3A_98, %mul3A_76 : vector<320x2730xf32>
      %add3A_100 = arith.constant 1.588530e+03 : f32
      %add3A_101 = vector.broadcast %add3A_100 : f32 to vector<320x2730xf32>
      %add3A_102 = arith.addf %mul3A_99, %add3A_101 : vector<320x2730xf32>
      %mul3A_103 = arith.mulf %add3A_102, %mul3A_76 : vector<320x2730xf32>
      %add3A_104 = arith.constant -553.414551 : f32
      %add3A_105 = vector.broadcast %add3A_104 : f32 to vector<320x2730xf32>
      %add3A_106 = arith.addf %mul3A_103, %add3A_105 : vector<320x2730xf32>
      %mul3A_107 = arith.mulf %add3A_106, %mul3A_76 : vector<320x2730xf32>
      %add3A_108 = arith.constant 142.7883 : f32
      %add3A_109 = vector.broadcast %add3A_108 : f32 to vector<320x2730xf32>
      %add3A_110 = arith.addf %mul3A_107, %add3A_109 : vector<320x2730xf32>
      %mul3A_111 = arith.mulf %add3A_110, %mul3A_76 : vector<320x2730xf32>
      %add3A_112 = arith.constant -27.70924 : f32
      %add3A_113 = vector.broadcast %add3A_112 : f32 to vector<320x2730xf32>
      %add3A_114 = arith.addf %mul3A_111, %add3A_113 : vector<320x2730xf32>
      %mul3A_115 = arith.mulf %add3A_114, %mul3A_76 : vector<320x2730xf32>
      %add3A_116 = arith.constant 4.73760605 : f32
      %add3A_117 = vector.broadcast %add3A_116 : f32 to vector<320x2730xf32>
      %add3A_118 = arith.addf %mul3A_115, %add3A_117 : vector<320x2730xf32>
      %mul3A_119 = arith.mulf %min3A_75, %add3A_118 : vector<320x2730xf32>
      %add3A_120 = arith.constant 1.000000e+00 : f32
      %add3A_121 = vector.broadcast %add3A_120 : f32 to vector<320x2730xf32>
      %add3A_122 = arith.addf %add3A_121, %mul3A_119 : vector<320x2730xf32>
      %mul3A_123 = arith.mulf %mul3A_68, %add3A_122 : vector<320x2730xf32>
      %slice3A_124 = vector.extract_strided_slice %add3A_64 {offsets = [0, 0], sizes = [320, 2730], strides = [1, 1]} : vector<320x5460xf32> to vector<320x2730xf32>
      %mul3A_125 = arith.mulf %mul3A_123, %slice3A_124 : vector<320x2730xf32>
      %mul3A_126 = vector.broadcast %broadcast_in_dim3A_53 : vector<1x2730xf32> to vector<320x2730xf32>
      %mul3A_127 = arith.mulf %mul3A_125, %mul3A_126 : vector<320x2730xf32>
      %swap3A = arith.constant 0 : index
      %swap3A_128 = arith.constant 0 : index
      %swap3A_129 = vector.load %arg12[%swap3A, %swap3A_128] : memref<320x2730xf32, #tpu.memory_space<vmem>>, vector<320x2730xf32>
      tpu.vector_store %arg12[%swap3A, %swap3A_128], %mul3A_127 {strides = array<i32>} : memref<320x2730xf32, #tpu.memory_space<vmem>>, vector<320x2730xf32>,
    } else {
    }
    %gt3A = arith.constant 0 : i32
    %gt3A_28 = arith.cmpi sgt, %arg1, %gt3A : i32
    %convert_element_type3A_29 = arith.extui %gt3A_28 : i1 to i32
    %cond3A_30 = arith.constant 0 : i32
    %cond3A_31 = arith.cmpi ne, %convert_element_type3A_29, %cond3A_30 : i32
    scf.if %cond3A_31 {
      %get3A_40 = arith.constant 0 : index
      %get3A_41 = arith.constant 0 : index
      %get3A_42 = vector.load %arg8[%get3A_40, %get3A_41] : memref<8x1024xf32, #tpu.memory_space<vmem>>, vector<8x1024xf32>
      %mul3A = vector.broadcast %convert_element_type3A_11 : vector<8x1xf32> to vector<8x1024xf32>
      %mul3A_43 = arith.mulf %get3A_42, %mul3A : vector<8x1024xf32>
      %reduce_sum3A = arith.constant dense<0.000000e+00> : vector<1024xf32>
      %reduce_sum3A_44 = vector.multi_reduction <add>, %mul3A_43, %reduce_sum3A [0] : vector<8x1024xf32> to vector<1024xf32>
      %broadcast_in_dim3A_45 = vector.shape_cast %reduce_sum3A_44 : vector<1024xf32> to vector<1x1024xf32>
      %eq3A_46 = arith.constant 1 : i32
      %eq3A_47 = arith.cmpi eq, %arg1, %eq3A_46 : i32
      %slice3A = vector.extract_strided_slice %broadcast_in_dim3A_45 {offsets = [0, 0], sizes = [1, 512], strides = [1, 1]} : vector<1x1024xf32> to vector<1x512xf32>
      %slice3A_48 = vector.extract_strided_slice %broadcast_in_dim3A_45 {offsets = [0, 512], sizes = [1, 512], strides = [1, 1]} : vector<1x1024xf32> to vector<1x512xf32>
      %select_n3A_49 = arith.select %eq3A_47, %slice3A, %slice3A_48 : vector<1x512xf32>
      %get3A_50 = arith.constant 0 : index
      %get3A_51 = arith.constant 0 : index
      %get3A_52 = vector.load %arg12[%get3A_50, %get3A_51] : memref<320x2730xf32, #tpu.memory_space<vmem>>, vector<320x2730xf32>
      %get3A_53 = arith.constant 0 : index
      %get3A_54 = arith.constant 0 : index
      %get3A_55 = arith.constant 0 : index
      %get3A_56 = vector.load %arg7[%get3A_53, %get3A_54, %get3A_55] : memref<1x512x2730xf32, #tpu.memory_space<vmem>>, vector<1x512x2730xf32>
      %get3A_57 = vector.shape_cast %get3A_56 : vector<1x512x2730xf32> to vector<512x2730xf32>
      %dot_general3A = arith.constant dense<0.000000e+00> : vector<320x512xf32>
      %dot_general3A_58 = tpu.matmul %get3A_52, %get3A_57, %dot_general3A {dimension_numbers = #tpu.dot_dimension_numbers<[1], [1], [0], [0], [0, 0, 1, 0], [], []>, transpose_lhs_hint = false} : vector<320x2730xf32>, vector<512x2730xf32>, vector<320x512xf32> -> vector<320x512xf32>
      %add3A = vector.broadcast %select_n3A_49 : vector<1x512xf32> to vector<320x512xf32>
      %add3A_59 = arith.addf %dot_general3A_58, %add3A : vector<320x512xf32>
      %iota3A_60 = tpu.iota {dimensions = array<i32: 1>} : vector<2048x320xi32>
      %convert_element_type3A_61 = arith.sitofp %iota3A_60 : vector<2048x320xi32> to vector<2048x320xf32>
      %convert_element_type3A_62 = arith.sitofp %arg0 : i32 to f32
      %mul3A_63 = arith.constant 3.200000e+02 : f32
      %mul3A_64 = arith.mulf %convert_element_type3A_62, %mul3A_63 : f32
      %add3A_65 = vector.broadcast %mul3A_64 : f32 to vector<2048x320xf32>
      %add3A_66 = arith.addf %convert_element_type3A_61, %add3A_65 : vector<2048x320xf32>
      %get3A_67 = arith.constant 0 : index
      %get3A_68 = arith.constant 0 : index
      %get3A_69 = vector.load %arg9[%get3A_67, %get3A_68] : memref<2048x4xf32, #tpu.memory_space<vmem>>, vector<2048x1xf32>
      %eq3A_70 = vector.broadcast %get3A_69 : vector<2048x1xf32> to vector<2048x320xf32>
      %eq3A_71 = arith.cmpf oeq, %eq3A_70, %add3A_66 : vector<2048x320xf32>
      %convert_element_type3A_72 = arith.extui %eq3A_71 : vector<2048x320xi1> to vector<2048x320xi32>
      %convert_element_type3A_73 = arith.sitofp %convert_element_type3A_72 : vector<2048x320xi32> to vector<2048x320xf32>
      %get3A_74 = arith.constant 0 : index
      %get3A_75 = arith.constant 2 : index
      %get3A_76 = vector.load %arg9[%get3A_74, %get3A_75] : memref<2048x4xf32, #tpu.memory_space<vmem>>, vector<2048x1xf32>
      %mul3A_77 = vector.broadcast %get3A_76 : vector<2048x1xf32> to vector<2048x320xf32>
      %mul3A_78 = arith.mulf %convert_element_type3A_73, %mul3A_77 : vector<2048x320xf32>
      %get3A_79 = arith.constant 0 : index
      %get3A_80 = arith.constant 1 : index
      %get3A_81 = vector.load %arg9[%get3A_79, %get3A_80] : memref<2048x4xf32, #tpu.memory_space<vmem>>, vector<2048x1xf32>
      %eq3A_82 = vector.broadcast %get3A_81 : vector<2048x1xf32> to vector<2048x320xf32>
      %eq3A_83 = arith.cmpf oeq, %eq3A_82, %add3A_66 : vector<2048x320xf32>
      %convert_element_type3A_84 = arith.extui %eq3A_83 : vector<2048x320xi1> to vector<2048x320xi32>
      %convert_element_type3A_85 = arith.sitofp %convert_element_type3A_84 : vector<2048x320xi32> to vector<2048x320xf32>
      %get3A_86 = arith.constant 0 : index
      %get3A_87 = arith.constant 3 : index
      %get3A_88 = vector.load %arg9[%get3A_86, %get3A_87] : memref<2048x4xf32, #tpu.memory_space<vmem>>, vector<2048x1xf32>
      %mul3A_89 = vector.broadcast %get3A_88 : vector<2048x1xf32> to vector<2048x320xf32>
      %mul3A_90 = arith.mulf %convert_element_type3A_85, %mul3A_89 : vector<2048x320xf32>
      %add3A_91 = arith.addf %mul3A_78, %mul3A_90 : vector<2048x320xf32>
      %dot_general3A_92 = arith.constant dense<0.000000e+00> : vector<2048x512xf32>
      %dot_general3A_93 = tpu.matmul %add3A_91, %add3A_59, %dot_general3A_92 {dimension_numbers = #tpu.dot_dimension_numbers<[1], [0], [0], [1], [0, 0, 1, 1], [], []>, transpose_lhs_hint = false} : vector<2048x320xf32>, vector<320x512xf32>, vector<2048x512xf32> -> vector<2048x512xf32>
      %eq3A_94 = arith.constant 1 : i32
      %eq3A_95 = arith.cmpi eq, %arg1, %eq3A_94 : i32
      %convert_element_type3A_96 = arith.extui %eq3A_95 : i1 to i32
      %cond3A_97 = arith.constant 0 : i32
      %cond3A_98 = arith.cmpi ne, %convert_element_type3A_96, %cond3A_97 : i32
      scf.if %cond3A_98 {
        %get3A_104 = arith.constant 0 : index
        %get3A_105 = arith.constant 0 : index
        %get3A_106 = vector.load %arg13[%get3A_104, %get3A_105] : memref<2048x1024xf32, #tpu.memory_space<vmem>>, vector<2048x512xf32>
        %add3A_107 = arith.addf %get3A_106, %dot_general3A_93 : vector<2048x512xf32>
        %swap3A = arith.constant 0 : index
        %swap3A_108 = arith.constant 0 : index
        %swap3A_109 = vector.load %arg13[%swap3A, %swap3A_108] : memref<2048x1024xf32, #tpu.memory_space<vmem>>, vector<2048x512xf32>
        tpu.vector_store %arg13[%swap3A, %swap3A_108], %add3A_107 {strides = array<i32>} : memref<2048x1024xf32, #tpu.memory_space<vmem>>, vector<2048x512xf32>,
      } else {
      }
      %eq3A_99 = arith.constant 2 : i32
      %eq3A_100 = arith.cmpi eq, %arg1, %eq3A_99 : i32
      %convert_element_type3A_101 = arith.extui %eq3A_100 : i1 to i32
      %cond3A_102 = arith.constant 0 : i32
      %cond3A_103 = arith.cmpi ne, %convert_element_type3A_101, %cond3A_102 : i32
      scf.if %cond3A_103 {
        %get3A_104 = arith.constant 0 : index
        %get3A_105 = arith.constant 512 : index
        %get3A_106 = vector.load %arg13[%get3A_104, %get3A_105] : memref<2048x1024xf32, #tpu.memory_space<vmem>>, vector<2048x512xf32>
        %add3A_107 = arith.addf %get3A_106, %dot_general3A_93 : vector<2048x512xf32>
        %swap3A = arith.constant 0 : index
        %swap3A_108 = arith.constant 512 : index
        %swap3A_109 = vector.load %arg13[%swap3A, %swap3A_108] : memref<2048x1024xf32, #tpu.memory_space<vmem>>, vector<2048x512xf32>
        tpu.vector_store %arg13[%swap3A, %swap3A_108], %add3A_107 {strides = array<i32>} : memref<2048x1024xf32, #tpu.memory_space<vmem>>, vector<2048x512xf32>,
      } else {
      }
    } else {
    }
    %eq3A_32 = arith.constant 7 : i32
    %eq3A_33 = arith.cmpi eq, %arg0, %eq3A_32 : i32
    %eq3A_34 = arith.constant 2 : i32
    %eq3A_35 = arith.cmpi eq, %arg1, %eq3A_34 : i32
    %and3A_36 = arith.andi %eq3A_33, %eq3A_35 : i1
    %convert_element_type3A_37 = arith.extui %and3A_36 : i1 to i32
    %cond3A_38 = arith.constant 0 : i32
    %cond3A_39 = arith.cmpi ne, %convert_element_type3A_37, %cond3A_38 : i32
    scf.if %cond3A_39 {
      tpu.enqueue_dma source(%arg13 : memref<2048x1024xf32, #tpu.memory_space<vmem>>) target(%arg10 : memref<2048x1024xf32, #tpu.memory_space<any>>) target_semaphore(%arg14 : memref<!tpu.dma_semaphore, #tpu.memory_space<semaphore_mem>>)
      tpu.wait_dma2 semaphore(%arg14 : memref<!tpu.dma_semaphore, #tpu.memory_space<semaphore_mem>>) src(%arg13 : memref<2048x1024xf32, #tpu.memory_space<vmem>>) dst(%arg10 : memref<2048x1024xf32, #tpu.memory_space<any>>)
    } else {
    }
    return
  }
  func.func @transform_0(%arg0: i32, %arg1: i32) -> (i32, i32) {
    %c0_i32 = arith.constant 0 : i32
    %c0_i32_0 = arith.constant 0 : i32
    %c0_i32_1 = arith.constant 0 : i32
    return %c0_i32, %c0_i32_0 : i32, i32
  }
  func.func @transform_1(%arg0: i32, %arg1: i32) -> (i32, i32) {
    %c0_i32 = arith.constant 0 : i32
    %c0_i32_0 = arith.constant 0 : i32
    return %arg0, %c0_i32 : i32, i32
  }
  func.func @transform_2(%arg0: i32, %arg1: i32) -> (i32, i32, i32) {
    %min3A = arith.constant 1 : i32
    %min3A_0 = arith.minsi %arg1, %min3A : i32
    %c0_i32 = arith.constant 0 : i32
    %c0_i32_1 = arith.constant 0 : i32
    return %arg0, %c0_i32, %min3A_0 : i32, i32, i32
  }
  func.func @transform_3(%arg0: i32, %arg1: i32) -> (i32, i32) {
    %c0_i32 = arith.constant 0 : i32
    %c0_i32_0 = arith.constant 0 : i32
    %c0_i32_1 = arith.constant 0 : i32
    return %c0_i32, %c0_i32_0 : i32, i32
  }
  func.func @transform_4(%arg0: i32, %arg1: i32) -> (i32, i32) {
    %c0_i32 = arith.constant 0 : i32
    %c0_i32_0 = arith.constant 0 : i32
    %c0_i32_1 = arith.constant 0 : i32
    return %c0_i32, %c0_i32_0 : i32, i32
  }
  func.func @transform_5(%arg0: i32, %arg1: i32) -> (i32, i32, i32) {
    %sub3A = arith.constant 1 : i32
    %sub3A_0 = arith.subi %arg1, %sub3A : i32
    %max3A = arith.constant 0 : i32
    %max3A_1 = arith.maxsi %sub3A_0, %max3A : i32
    %c0_i32 = arith.constant 0 : i32
    %c0_i32_2 = arith.constant 0 : i32
    return %arg0, %max3A_1, %c0_i32 : i32, i32, i32
  }
  func.func @transform_6(%arg0: i32, %arg1: i32) -> (i32, i32) {
    %c0_i32 = arith.constant 0 : i32
    %c0_i32_0 = arith.constant 0 : i32
    %c0_i32_1 = arith.constant 0 : i32
    return %c0_i32, %c0_i32_0 : i32, i32
  }
  func.func @transform_7(%arg0: i32, %arg1: i32) -> (i32, i32) {
    %c0_i32 = arith.constant 0 : i32
    %c0_i32_0 = arith.constant 0 : i32
    %c0_i32_1 = arith.constant 0 : i32
    return %c0_i32, %c0_i32_0 : i32, i32
  }
}

</mosaic_0001>

<sc_bundles>
// kernel: kernel.5.cloned.1.call-start
scs
__scs_entry_jumppad:
0x0: {  	(pc) =	sbr.rel $0x88, $3  }
0x1: {  	(tag) =	ssettag $0x0;
	lr =	simm.s32 $0x1  }
0x2: {  	[smem:$0x3F9A] =	sst lr;
	_ =	strace $0xD0000000  }
0x3: {  	_ = 	snop  }
0x4: {  	_ = 	snop  }
0x5: {  	_ = 	snop  }
0x6: {  	_ = 	snop  }
0x7: {  	_ = 	snop  }
__scs_overlays_trampoline_lowered:
0x8: {  	[smem:$0x3FA9] =	sst s0  }
0x9: {  	[smem:$0x3FAA] =	sst s1  }
0xa: {  	[smem:$0x3FAB] =	sst s2  }
0xb: {  	[smem:$0x3FAC] =	sst s3  }
0xc: {  	[smem:$0x3FAD] =	sst s4  }
0xd: {  	[smem:$0x3FAE] =	sst s5  }
0xe: {  	[smem:$0x3FAF] =	sst s6  }
0xf: {  	[smem:$0x3FB0] =	sst s7  }
0x10: {  	[smem:$0x3FB1] =	sst s8  }
0x11: {  	[smem:$0x3FB2] =	sst s9;
	s0 =	simm.s32 @!p0 $0x0  }
0x12: {  	s1 =	sld [smem:$0x3F98];
	s0 =	simm.s32 @p0 $0x1  }
0x13: {  	[smem:$0x3FB3] =	sst s0;
	s0 =	simm.s32 @!p1 $0x0  }
0x14: {  	s2 =	sld [smem:$0x3F97];
	s0 =	simm.s32 @p1 $0x1  }
0x15: {  	[smem:$0x3FB4] =	sst s0;
	s0 =	simm.s32 @!p2 $0x0  }
0x16: {  	s3 =	sld [smem:$0x3FDB];
	s0 =	simm.s32 @p2 $0x1  }
0x17: {  	s4 =	simm.s32 $0x1BF5;
	[smem:$0x3FB6] =	sst s0  }
0x18: {  	s0 =	sld [smem:$0x3F99];
	_ =	swait.ge [sflag:s4], $0x0  }
0x19: {  	s7 =	sld [smem:$0x3F9A]  }
0x1a: {  	s8 =	sadd.s32 $0xFFFFE003, lr  }
0x1b: {  	s9 =	sadd.s32 $0xFFFFFEF7, lr;
	s5 =	simm.s32 $0xFFFFFFFF;
	p2 =	slt.u32 s8, $0xFFFFF086  }
0x1c: {  	p1 =	slt.u32 s9, $0xF7A;
	s5 =	simm.s32 @!p2 $0x0  }
0x1d: {  	s5 =	simm.s32 @p1 $0x1;
	p0 =	seq.s32 s7, s2  }
0x1e: {  	s7 =	smul.u32 @!p0 $0xF7A, s2;
	p2 =	seq.s32 @!p0 s5, $0x0  }
0x1f: {  	s9 =	smul.u32 $0xF7A, s1;
	s8 =	simm.s32 @!p0 $0x1BF5;
	p2 =	por !p2, p0  }
0x20: {  	[sflag:s8] =	ssyncset.s32 @!p0 $0xFFFFF086;
	s6 =	sadd.s32 @!p0 s3, s7;
	s7 =	simm.s32 @!p0 $0x108  }
0x21: {  	s3 =	sadd.s32 s3, s9;
	s6 =	sadd.s32 @!p0 $0x88, s6;
	s7 =	simm.s32 @p2 $0x1082  }
0x22: {  	[simem:s7], [sflag:s8] =	dma.local @!p0 [hbm:s6], $0xF7A  }
0x23: {  	s9 =	sor.u32 $0xD0000000, s2;
	s6 =	simm.s32 $0x108;
	_ =	swait.ge @!p0 [sflag:s8], $0x0  }
0x24: {  	s3 =	sadd.s32 $0x88, s3;
	s6 =	simm.s32 @!p1 $0x1082;
	[sflag:s4] =	ssyncset.s32 $0xFFFFF086  }
0x25: {  	[simem:s6], [sflag:s4] =	dma.local [hbm:s3], $0xF7A  }
0x26: {  	[smem:$0x3F9A] =	sst s1;
	(tag) =	ssettag s2;
	_ =	strace s9  }
0x27: {  	s1 =	sld [smem:$0x3FAA]  }
0x28: {  	s2 =	sld [smem:$0x3FAB]  }
0x29: {  	s4 =	sld [smem:$0x3FAD]  }
0x2a: {  	p0 =	seq.s32 s5, $0x0;
	s5 =	sld [smem:$0x3FAE]  }
0x2b: {  	s6 =	sld [smem:$0x3FAF]  }
0x2c: {  	s7 =	sld [smem:$0x3FB0]  }
0x2d: {  	s3 =	simm.s32 $0x108;
	s8 =	sld [smem:$0x3FB1]  }
0x2e: {  	s3 =	simm.s32 @!p0 $0x1082;
	s9 =	sld [smem:$0x3FB2]  }
0x2f: {  	lr =	sadd.s32 s0, s3;
	s0 =	sld [smem:$0x3FA9]  }
0x30: {  	s3 =	sld [smem:$0x3FAC]  }
0x31: {  	[smem:$0x3FB5] =	sst s10  }
0x32: {  	s10 =	sld [smem:$0x3FB3];
	_ =	sdelay $0x3  }
0x33: {  	p0 =	seq.s32 s10, $0x1;
	s10 =	sld [smem:$0x3FB5];
	_ =	sdelay $0x3  }
0x34: {  	[smem:$0x3FB5] =	sst s10  }
0x35: {  	s10 =	sld [smem:$0x3FB4];
	_ =	sdelay $0x3  }
0x36: {  	p1 =	seq.s32 s10, $0x1;
	s10 =	sld [smem:$0x3FB5];
	_ =	sdelay $0x3  }
0x37: {  	[smem:$0x3FB5] =	sst s10  }
0x38: {  	s10 =	sld [smem:$0x3FB6]  }
0x39: {  	_ = 	snop;
	(pc) =	sbr.ind lr, $3  }
0x3a: {  	_ = 	snop  }
0x3b: {  	_ = 	snop  }
0x3c: {  	p2 =	seq.s32 s10, $0x1;
	s10 =	sld [smem:$0x3FB5]  }
0x3d: {  	_ =	shalt  }
0x3e: {  	_ =	shalt  }
0x3f: {  	_ =	shalt  }
0x40: {  	_ =	shalt  }
0x41: {  	_ =	shalt  }
0x42: {  	_ =	shalt  }
0x43: {  	_ =	shalt  }
0x44: {  	_ =	shalt  }
0x45: {  	_ =	shalt  }
0x46: {  	_ =	shalt  }
0x47: {  	_ =	shalt  }
0x48: {  	_ =	shalt  }
0x49: {  	_ =	shalt  }
0x4a: {  	_ =	shalt  }
0x4b: {  	_ =	shalt  }
0x4c: {  	_ =	shalt  }
0x4d: {  	_ =	shalt  }
0x4e: {  	_ =	shalt  }
0x4f: {  	_ =	shalt  }
0x50: {  	_ =	shalt  }
0x51: {  	_ =	shalt  }
0x52: {  	_ =	shalt  }
0x53: {  	_ =	shalt  }
0x54: {  	_ =	shalt  }
0x55: {  	_ =	shalt  }
0x56: {  	_ =	shalt  }
0x57: {  	_ =	shalt  }
0x58: {  	_ =	shalt  }
0x59: {  	_ =	shalt  }
0x5a: {  	_ =	shalt  }
0x5b: {  	_ =	shalt  }
0x5c: {  	_ =	shalt  }
0x5d: {  	_ =	shalt  }
0x5e: {  	_ =	shalt  }
0x5f: {  	_ =	shalt  }
0x60: {  	_ =	shalt  }
0x61: {  	_ =	shalt  }
0x62: {  	_ =	shalt  }
0x63: {  	_ =	shalt  }
0x64: {  	_ =	shalt  }
0x65: {  	_ =	shalt  }
0x66: {  	_ =	shalt  }
0x67: {  	_ =	shalt  }
0x68: {  	_ =	shalt  }
0x69: {  	_ =	shalt  }
0x6a: {  	_ =	shalt  }
0x6b: {  	_ =	shalt  }
0x6c: {  	_ =	shalt  }
0x6d: {  	_ =	shalt  }
0x6e: {  	_ =	shalt  }
0x6f: {  	_ =	shalt  }
0x70: {  	_ =	shalt  }
0x71: {  	_ =	shalt  }
0x72: {  	_ =	shalt  }
0x73: {  	_ =	shalt  }
0x74: {  	_ =	shalt  }
0x75: {  	_ =	shalt  }
0x76: {  	_ =	shalt  }
0x77: {  	_ =	shalt  }
0x78: {  	_ =	shalt  }
0x79: {  	_ =	shalt  }
0x7a: {  	_ =	shalt  }
0x7b: {  	_ =	shalt  }
0x7c: {  	_ =	shalt  }
0x7d: {  	_ =	shalt  }
0x7e: {  	_ =	shalt  }
0x7f: {  	_ =	shalt  }
0x80: {  	_ =	shalt  }
0x81: {  	_ =	shalt  }
0x82: {  	_ =	shalt  }
0x83: {  	_ =	shalt  }
0x84: {  	_ =	shalt  }
0x85: {  	_ =	shalt  }
0x86: {  	_ =	shalt  }
0x87: {  	_ =	shalt  }
.Lfunc_end0:
.L_simem_size_0:
called_computation_lowered:
.L_overlay_start_0:
0x88: {  	s2 =	sld [smem:$0x3FD9]  }
0x89: {  	s3 =	sld [smem:$0x3FFE];
	_ =	sdelay $0x1  }
0x8a: {  	s1 =	srdreg.scid  }
0x8b: {  	s0 =	sand.u32 $0x1, s1  }
0x8c: {  	s14 =	sshll.u32 s0, $0xA;
	s2 =	sadd.s32 s3, s2  }
0x8d: {  	s2 =	sadd.s32 s2, s14  }
0x8e: {  	[smem:$0x3FC1] =	sst s2  }
0x8f: {  	_ = 	snop  }
0x90: {  	s2 =	sld [smem:$0x3FD0];
	_ =	sdelay $0x2  }
0x91: {  	s4 =	simm.s32 $0xA;
	s5 =	simm.s32 $0x10;
	s15 =	sld [smem:$0x3FC9]  }
0x92: {  	[smem:s5], [sflag:s4] =	dma.local [hbm:s2], $0x1  }
0x93: {  	_ =	swait.eq [sflag:s4], $0x1  }
0x94: {  	[sflag:s4] =	ssyncset.done $0x0  }
0x95: {  	[sflag:s4] =	ssyncadd.s32 $0xFFFFFFFF  }
0x96: {  	s16 =	sld [smem:$0x10];
	(tm) =	ssettm $0x1  }
0x97: {  	s17 =	sld [smem:$0x3FFB];
	_ =	sdelay $0x3  }
0x98: {  	_ =	strace s17  }
0x99: {  	s4 =	sld [smem:$0x3FFC];
	_ =	sdelay $0x3  }
0x9a: {  	_ =	strace s4  }
0x9b: {  	s4 =	sld [smem:$0x3FFD];
	_ =	sdelay $0x3  }
0x9c: {  	_ =	strace s4  }
0x9d: {  	_ =	strace $0x8FFFFFFF  }
0x9e: {  	s18 =	sld [smem:$0x3FDB];
	_ =	sdelay $0x1  }
0x9f: {  	s19 =	simm.s32 $_scs_section_size  }
0xa0: {  	s6 =	simm.s32 $_size__tile_overlayer_lowered;
	s7 =	simm.s32 $_tile_overlayer_lowered  }
0xa1: {  	s22 =	simm.s32 $0x1BFF;
	s21 =	sshll.u32 s7, $0x1;
	s4 =	sadd.s32 s19, s18  }
0xa2: {  	s8 =	simm.s32 $0x0;
	s20 =	sshll.u32 s6, $0x1;
	s6 =	sadd.s32 s21, s4  }
0xa3: {  	[timem:s8], [sflag:s22] =	dma.local [hbm:s6], s20  }
0xa4: {  	_ =	swait.ge [sflag:s22], s20  }
0xa5: {  	s5 =	ssub.s32 $0x0, s20;
	[sflag:s22] =	ssyncset.done $0x0  }
0xa6: {  	[sflag:s22] =	ssyncadd.s32 s5;
	_ =	sdelay $0x1  }
0xa7: {  	s23 =	simm.s32 $0x1B8B  }
0xa8: {  	_ =	swait.ge [sflag:s23], $0x1  }
0xa9: {  	[sflag:s23] =	ssyncset.done $0x0  }
0xaa: {  	s25 =	simm.s32 $0x1B8E;
	s24 =	sld [smem:$0x3FFE];
	[sflag:s23] =	ssyncadd.s32 $0xFFFFFFFF  }
0xab: {  	s26 =	simm.s32 $execute0_lowered;
	[smem:$0x3FD2] =	sst s25  }
0xac: {  	s6 =	sshll.u32 s26, $0x1;
	_ =	strace $0x80000046;
	[dreg:$0x1] =	wrdreg $0xFFFFFFFF  }
0xad: {  	s28 =	simm.s32 $_size_execute0_lowered;
	s4 =	sadd.s32 s4, s6;
	[dreg:$0x0] =	wrdreg $0x0  }
0xae: {  	s6 =	sshll.u32 s28, $0x1;
	[dreg:$0x2] =	wrdreg s4  }
0xaf: {  	[dreg:$0x3] =	wrdreg s6  }
0xb0: {  	[dreg:$0x4] =	wrdreg $0xC0  }
0xb1: {  	_ =	task [dreg:s8], $0x5FFFF  }
0xb2: {  	[dreg:$0x1] =	wrdreg $0xFFFFFFFF  }
0xb3: {  	[dreg:$0x0] =	wrdreg $0x60  }
0xb4: {  	[dreg:$0x2] =	wrdreg s15  }
0xb5: {  	[dreg:$0x3] =	wrdreg s16  }
0xb6: {  	[dreg:$0x4] =	wrdreg s24  }
0xb7: {  	[dreg:$0x5] =	wrdreg $0x9  }
0xb8: {  	_ =	task.clear_ibuf [dreg:s8], $0x6FFFF;
	_ =	strace $0x90000046  }
0xb9: {  	s29 =	simm.s32 $0x9;
	_ =	strace $0x80000048  }
0xba: {  	_ =	swait.ge [sflag:s29], $0x1  }
0xbb: {  	[sflag:s29] =	ssyncadd.s32 $0xFFFFFFFF  }
0xbc: {  	_ =	strace $0x90000048  }
0xbd: {  	_ =	sfence  }
0xbe: {  	s30 =	sld [smem:$0x0];
	_ =	sdelay $0x2  }
0xbf: {  	s31 =	sshll.u32 s1, $0xD;
	s1 =	sshrl.u32 s1, $0x2  }
0xc0: {  	s3 =	sand.u32 $0x4000, s31;
	s1 =	sadd.s32 s1, s30  }
0xc1: {  	s0 =	sor.u32 s3, s0;
	s1 =	sshll.u32 s1, $0x11  }
0xc2: {  	s0 =	sor.u32 s1, s0  }
0xc3: {  	s0 =	sadd.s32 $0x8F2B, s0  }
0xc4: {  	[sflag:s0] =	ssyncadd.remote.s32 $0x1  }
0xc5: {  	_ =	sfence.sel $0xFFFF  }
0xc6: {  	[dreg:$0x0] =	wrdreg $0xFFFFFFFF;
	(pc) =	sbr.abs _section_cstart, $3  }
0xc7: {  	[dreg:$0x1] =	wrdreg $0xFFFFFFFF  }
0xc8: {  	_ =	task.clear_ibuf [dreg:s8], $0x2FFFF;
	_ =	strace $0x9FFFFFFF  }
0xc9: {  	(tm) =	ssettm $0x7FFFFFFF  }
tec
execute0_lowered:
.L_overlay_start_1:
0x0: {  	(tag) =	ssettag $0x1  }
0x1: {  	s0 =	rddreg [dreg:$0x0]  }
0x2: {  	s1 =	rddreg [dreg:$0x1]  }
0x3: {  	s3 =	rddreg [dreg:$0x2];
	s4 =	srdreg.scid  }
0x4: {  	s2 =	simm.s32 $0x0;
	s8 =	stileid.u32;
	s25 =	simm.s32 $0x10000  }
0x5: {  	s26 =	simm.s32 $0x10080;
	s9 =	simm.s32 $0x3;
	s28 =	simm.s32 $0x4800  }
0x6: {  	s29 =	simm.s32 $0x5000;
	s30 =	simm.s32 $0x5800;
	s31 =	simm.s32 $0x6000  }
0x7: {  	s10 =	simm.s32 $0x8000;
	s11 =	simm.s32 $0x8800;
	s12 =	simm.s32 $0x9000  }
0x8: {  	s13 =	simm.s32 $0x9800;
	s14 =	simm.s32 $0xA000;
	s15 =	simm.s32 $0xA800  }
0x9: {  	s16 =	simm.s32 $0xB000;
	s17 =	simm.s32 $0xB800;
	s18 =	simm.s32 $0xC000  }
0xa: {  	s4 =	sand.u32 $0x1, s4;
	[smem:$0x7FF] =	sst s2;
	s6 =	sshll.u32 s8, $0xE  }
0xb: {  	s8 =	sshll.u32 s8, $0x6;
	s5 =	sshll.u32 s4, $0x3;
	s7 =	sshll.u32 s4, $0xD  }
0xc: {  	_ =	strace $0x80000047;
	s21 =	ssub.s32 $0x2, s4;
	[dreg:$0x6] =	wrdreg s25  }
0xd: {  	s4 =	sadd.s32 $0x9A00, s3;
	[dreg:$0x7] =	wrdreg s26;
	s25 =	simm.s32 $0x3800  }
0xe: {  	s26 =	simm.s32 $0x4000;
	s6 =	sor.u32 s7, s6;
	s5 =	sor.u32 s5, s8  }
0xf: {  	s23 =	sshrl.u32 s21, $0x1;
	s7 =	sadd.s32 $0x9D00, s3;
	s0 =	sadd.s32 s0, s6  }
0x10: {  	s22 =	sadd.s32 s1, s5;
	s1 =	ssub.s32 s21, s23;
	s5 =	sadd.s32 $0x9B00, s3  }
0x11: {  	s6 =	sadd.s32 $0x9C00, s3;
	s21 =	simm.s32 $0x1800;
	[dreg:$0x4] =	wrdreg s0  }
0x12: {  	v2 =	vlaneseq.u32;
	s23 =	simm.s32 $0x2800;
	s3 =	simm.s32 $0x7800;
	[dreg:$0x8] =	wrdreg s22  }
0x13: {  	vm0 =	vmmov $0xffff;
	v1 =	vshrl.u32 v2, $0x3;
	s24 =	sadd.s32 $0x10, s22;
	s8 =	smax.u32 s1, $0x1;
	s22 =	simm.s32 $0x2000  }
0x14: {  	v0 =	vand.u32 $0x7, v2;
	v2 =	vor.u32 $0x8, v2;
	v1 =	vmul.u32 $0x8, v1;
	s1 =	simm.s32 $0x7000;
	[dreg:$0x5] =	wrdreg s24;
	s24 =	simm.s32 $0x3000  }
.LBB2_1:
0x15: {  	s19 =	rddreg [dreg:$0x4]  }
0x16: {  	[tilespmem:s2], [sflag:$0x3] =	stream.linear.gather [hbm4b:s19+s2], $0x10000, $0x38;
	[tilespmem:$0x10100] =	vst v63  }
0x17: {  	_ =	swait.ge [sflag:s9], $0x10000  }
0x18: {  	s0 =	rddreg [dreg:$0x6];
	[sflag:s9] =	ssyncset.done $0x0  }
0x19: {  	s20 =	rddreg [dreg:$0x8];
	[sflag:s9] =	ssyncadd.s32 $0xFFFF0000  }
0x1a: {  	[tilespmem:s0], [sflag:$0x3] =	stream.linear.gather [hbm4b:s20+s2], $0x40, $0x38;
	[tilespmem:$0x10100] =	vst v63  }
0x1b: {  	_ =	swait.ge [sflag:s9], $0x40  }
0x1c: {  	s20 =	rddreg [dreg:$0x5];
	[sflag:s9] =	ssyncset.done $0x0  }
0x1d: {  	s0 =	rddreg [dreg:$0x7];
	[sflag:s9] =	ssyncadd.s32 $0xFFFFFFC0  }
0x1e: {  	[tilespmem:s0], [sflag:$0x3] =	stream.linear.gather [hbm4b:s20+s2], $0x40, $0x38;
	[tilespmem:$0x10100] =	vst v63  }
0x1f: {  	_ =	swait.ge [sflag:s9], $0x40  }
0x20: {  	[sflag:s9] =	ssyncset.done $0x0  }
0x21: {  	[sflag:s9] =	ssyncadd.s32 $0xFFFFFFC0  }
0x22: {  	v3 =	vld [tilespmem:$0x10000];
	_ =	sdelay $0x4  }
0x23: {  	v4 =	vshll.u32 v3, $0x3  }
0x24: {  	v3 =	vand.u32 $0x7, v3;
	v4 =	vand.u32 $0xFFFFFFC0, v4  }
0x25: {  	v3 =	vor.u32 v3, v4  }
0x26: {  	v4 =	vperm.xlane v3, v0;
	_ =	sdelay $0x1  }
0x27: {  	v4 =	vadd.s32 v1, v4;
	_ =	sdelay $0x4  }
0x28: {  	[hbm4b:s4+s2] =	stream.indirect_vreg.scatter [tilespmem:s2], [sflag:$0x1], $0x80, v4, vm0, $0xb8;
	[tilespmem:$0x10100] =	vst v63  }
0x29: {  	s19 =	simm.s32 $0x800;
	v3 =	vperm.xlane v3, v2  }
0x2a: {  	[hbm4b:s5+s2] =	stream.indirect_vreg.scatter [tilespmem:s19], [sflag:$0x1], $0x80, v4, vm0, $0xb8;
	[tilespmem:$0x10100] =	vst v63  }
0x2b: {  	s20 =	simm.s32 $0x1000;
	v3 =	vadd.s32 v1, v3  }
0x2c: {  	[hbm4b:s6+s2] =	stream.indirect_vreg.scatter [tilespmem:s20], [sflag:$0x1], $0x80, v4, vm0, $0xb8;
	[tilespmem:$0x10100] =	vst v63  }
0x2d: {  	_ = 	snop  }
0x2e: {  	[hbm4b:s7+s2] =	stream.indirect_vreg.scatter [tilespmem:s21], [sflag:$0x1], $0x80, v4, vm0, $0xb8;
	[tilespmem:$0x10100] =	vst v63  }
0x2f: {  	_ = 	snop  }
0x30: {  	[hbm4b:s4+s2] =	stream.indirect_vreg.scatter [tilespmem:s22], [sflag:$0x1], $0x80, v3, vm0, $0xb8;
	[tilespmem:$0x10100] =	vst v63  }
0x31: {  	_ = 	snop  }
0x32: {  	[hbm4b:s5+s2] =	stream.indirect_vreg.scatter [tilespmem:s23], [sflag:$0x1], $0x80, v3, vm0, $0xb8;
	[tilespmem:$0x10100] =	vst v63  }
0x33: {  	_ = 	snop  }
0x34: {  	[hbm4b:s6+s2] =	stream.indirect_vreg.scatter [tilespmem:s24], [sflag:$0x1], $0x80, v3, vm0, $0xb8;
	[tilespmem:$0x10100] =	vst v63  }
0x35: {  	_ = 	snop  }
0x36: {  	[hbm4b:s7+s2] =	stream.indirect_vreg.scatter [tilespmem:s25], [sflag:$0x1], $0x80, v3, vm0, $0xb8;
	[tilespmem:$0x10100] =	vst v63  }
0x37: {  	v3 =	vld [tilespmem:$0x10010];
	_ =	sdelay $0x4  }
0x38: {  	v57 =	vshll.u32 v3, $0x3  }
0x39: {  	v3 =	vand.u32 $0x7, v3;
	v4 =	vand.u32 $0xFFFFFFC0, v57  }
0x3a: {  	v3 =	vor.u32 v3, v4  }
0x3b: {  	v4 =	vperm.xlane v3, v0;
	_ =	sdelay $0x1  }
0x3c: {  	v4 =	vadd.s32 v1, v4;
	_ =	sdelay $0x4  }
0x3d: {  	[hbm4b:s4+s2] =	stream.indirect_vreg.scatter [tilespmem:s26], [sflag:$0x1], $0x80, v4, vm0, $0xb8;
	[tilespmem:$0x10100] =	vst v63  }
0x3e: {  	v3 =	vperm.xlane v3, v2  }
0x3f: {  	[hbm4b:s5+s2] =	stream.indirect_vreg.scatter [tilespmem:s28], [sflag:$0x1], $0x80, v4, vm0, $0xb8;
	[tilespmem:$0x10100] =	vst v63  }
0x40: {  	v3 =	vadd.s32 v1, v3  }
0x41: {  	[hbm4b:s6+s2] =	stream.indirect_vreg.scatter [tilespmem:s29], [sflag:$0x1], $0x80, v4, vm0, $0xb8;
	[tilespmem:$0x10100] =	vst v63  }
0x42: {  	_ = 	snop  }
0x43: {  	[hbm4b:s7+s2] =	stream.indirect_vreg.scatter [tilespmem:s30], [sflag:$0x1], $0x80, v4, vm0, $0xb8;
	[tilespmem:$0x10100] =	vst v63  }
0x44: {  	_ = 	snop  }
0x45: {  	[hbm4b:s4+s2] =	stream.indirect_vreg.scatter [tilespmem:s31], [sflag:$0x1], $0x80, v3, vm0, $0xb8;
	[tilespmem:$0x10100] =	vst v63  }
0x46: {  	s0 =	simm.s32 $0x6800  }
0x47: {  	[hbm4b:s5+s2] =	stream.indirect_vreg.scatter [tilespmem:s0], [sflag:$0x1], $0x80, v3, vm0, $0xb8;
	[tilespmem:$0x10100] =	vst v63  }
0x48: {  	_ = 	snop  }
0x49: {  	[hbm4b:s6+s2] =	stream.indirect_vreg.scatter [tilespmem:s1], [sflag:$0x1], $0x80, v3, vm0, $0xb8;
	[tilespmem:$0x10100] =	vst v63  }
0x4a: {  	_ = 	snop  }
0x4b: {  	[hbm4b:s7+s2] =	stream.indirect_vreg.scatter [tilespmem:s3], [sflag:$0x1], $0x80, v3, vm0, $0xb8;
	[tilespmem:$0x10100] =	vst v63  }
0x4c: {  	v3 =	vld [tilespmem:$0x10020];
	_ =	sdelay $0x4  }
0x4d: {  	v58 =	vshll.u32 v3, $0x3  }
0x4e: {  	v3 =	vand.u32 $0x7, v3;
	v4 =	vand.u32 $0xFFFFFFC0, v58  }
0x4f: {  	v3 =	vor.u32 v3, v4  }
0x50: {  	v4 =	vperm.xlane v3, v0;
	_ =	sdelay $0x1  }
0x51: {  	v4 =	vadd.s32 v1, v4;
	_ =	sdelay $0x4  }
0x52: {  	[hbm4b:s4+s2] =	stream.indirect_vreg.scatter [tilespmem:s10], [sflag:$0x1], $0x80, v4, vm0, $0xb8;
	[tilespmem:$0x10100] =	vst v63  }
0x53: {  	v3 =	vperm.xlane v3, v2  }
0x54: {  	[hbm4b:s5+s2] =	stream.indirect_vreg.scatter [tilespmem:s11], [sflag:$0x1], $0x80, v4, vm0, $0xb8;
	[tilespmem:$0x10100] =	vst v63  }
0x55: {  	v3 =	vadd.s32 v1, v3  }
0x56: {  	[hbm4b:s6+s2] =	stream.indirect_vreg.scatter [tilespmem:s12], [sflag:$0x1], $0x80, v4, vm0, $0xb8;
	[tilespmem:$0x10100] =	vst v63  }
0x57: {  	_ = 	snop  }
0x58: {  	[hbm4b:s7+s2] =	stream.indirect_vreg.scatter [tilespmem:s13], [sflag:$0x1], $0x80, v4, vm0, $0xb8;
	[tilespmem:$0x10100] =	vst v63  }
0x59: {  	_ = 	snop  }
0x5a: {  	[hbm4b:s4+s2] =	stream.indirect_vreg.scatter [tilespmem:s14], [sflag:$0x1], $0x80, v3, vm0, $0xb8;
	[tilespmem:$0x10100] =	vst v63  }
0x5b: {  	_ = 	snop  }
0x5c: {  	[hbm4b:s5+s2] =	stream.indirect_vreg.scatter [tilespmem:s15], [sflag:$0x1], $0x80, v3, vm0, $0xb8;
	[tilespmem:$0x10100] =	vst v63  }
0x5d: {  	_ = 	snop  }
0x5e: {  	[hbm4b:s6+s2] =	stream.indirect_vreg.scatter [tilespmem:s16], [sflag:$0x1], $0x80, v3, vm0, $0xb8;
	[tilespmem:$0x10100] =	vst v63  }
0x5f: {  	_ = 	snop  }
0x60: {  	[hbm4b:s7+s2] =	stream.indirect_vreg.scatter [tilespmem:s17], [sflag:$0x1], $0x80, v3, vm0, $0xb8;
	[tilespmem:$0x10100] =	vst v63  }
0x61: {  	v3 =	vld [tilespmem:$0x10030];
	_ =	sdelay $0x4  }
0x62: {  	v59 =	vshll.u32 v3, $0x3  }
0x63: {  	v3 =	vand.u32 $0x7, v3;
	v4 =	vand.u32 $0xFFFFFFC0, v59  }
0x64: {  	v3 =	vor.u32 v3, v4  }
0x65: {  	v4 =	vperm.xlane v3, v0;
	_ =	sdelay $0x1  }
0x66: {  	v4 =	vadd.s32 v1, v4;
	_ =	sdelay $0x4  }
0x67: {  	[hbm4b:s4+s2] =	stream.indirect_vreg.scatter [tilespmem:s18], [sflag:$0x1], $0x80, v4, vm0, $0xb8;
	[tilespmem:$0x10100] =	vst v63  }
0x68: {  	s0 =	simm.s32 $0xC800;
	v3 =	vperm.xlane v3, v2  }
0x69: {  	[hbm4b:s5+s2] =	stream.indirect_vreg.scatter [tilespmem:s0], [sflag:$0x1], $0x80, v4, vm0, $0xb8;
	[tilespmem:$0x10100] =	vst v63  }
0x6a: {  	v3 =	vadd.s32 v1, v3;
	s0 =	simm.s32 $0xD000  }
0x6b: {  	[hbm4b:s6+s2] =	stream.indirect_vreg.scatter [tilespmem:s0], [sflag:$0x1], $0x80, v4, vm0, $0xb8;
	[tilespmem:$0x10100] =	vst v63  }
0x6c: {  	s0 =	simm.s32 $0xD800  }
0x6d: {  	[hbm4b:s7+s2] =	stream.indirect_vreg.scatter [tilespmem:s0], [sflag:$0x1], $0x80, v4, vm0, $0xb8;
	[tilespmem:$0x10100] =	vst v63  }
0x6e: {  	s0 =	simm.s32 $0xE000  }
0x6f: {  	[hbm4b:s4+s2] =	stream.indirect_vreg.scatter [tilespmem:s0], [sflag:$0x1], $0x80, v3, vm0, $0xb8;
	[tilespmem:$0x10100] =	vst v63  }
0x70: {  	s0 =	simm.s32 $0xE800  }
0x71: {  	[hbm4b:s5+s2] =	stream.indirect_vreg.scatter [tilespmem:s0], [sflag:$0x1], $0x80, v3, vm0, $0xb8;
	[tilespmem:$0x10100] =	vst v63  }
0x72: {  	s0 =	simm.s32 $0xF000  }
0x73: {  	[hbm4b:s6+s2] =	stream.indirect_vreg.scatter [tilespmem:s0], [sflag:$0x1], $0x80, v3, vm0, $0xb8;
	[tilespmem:$0x10100] =	vst v63  }
0x74: {  	s0 =	simm.s32 $0xF800  }
0x75: {  	[hbm4b:s7+s2] =	stream.indirect_vreg.scatter [tilespmem:s0], [sflag:$0x1], $0x80, v3, vm0, $0xb8;
	[tilespmem:$0x10100] =	vst v63  }
0x76: {  	v3 =	vld [tilespmem:$0x10080];
	_ =	sdelay $0x4  }
0x77: {  	v60 =	vshll.u32 v3, $0x3  }
0x78: {  	v3 =	vand.u32 $0x7, v3;
	v4 =	vand.u32 $0xFFFFFFC0, v60  }
0x79: {  	v3 =	vor.u32 v3, v4  }
0x7a: {  	v4 =	vperm.xlane v3, v0;
	_ =	sdelay $0x1  }
0x7b: {  	v4 =	vadd.s32 v1, v4;
	_ =	sdelay $0x4  }
0x7c: {  	[hbm4b:s4+s2] =	stream.indirect_vreg.scatter [tilespmem:s2], [sflag:$0x2], $0x80, v4, vm0, $0xb8;
	[tilespmem:$0x10100] =	vst v63  }
0x7d: {  	v3 =	vperm.xlane v3, v2  }
0x7e: {  	[hbm4b:s5+s2] =	stream.indirect_vreg.scatter [tilespmem:s19], [sflag:$0x2], $0x80, v4, vm0, $0xb8;
	[tilespmem:$0x10100] =	vst v63  }
0x7f: {  	v3 =	vadd.s32 v1, v3  }
0x80: {  	[hbm4b:s6+s2] =	stream.indirect_vreg.scatter [tilespmem:s20], [sflag:$0x2], $0x80, v4, vm0, $0xb8;
	[tilespmem:$0x10100] =	vst v63  }
0x81: {  	_ = 	snop  }
0x82: {  	[hbm4b:s7+s2] =	stream.indirect_vreg.scatter [tilespmem:s21], [sflag:$0x2], $0x80, v4, vm0, $0xb8;
	[tilespmem:$0x10100] =	vst v63  }
0x83: {  	_ = 	snop  }
0x84: {  	[hbm4b:s4+s2] =	stream.indirect_vreg.scatter [tilespmem:s22], [sflag:$0x2], $0x80, v3, vm0, $0xb8;
	[tilespmem:$0x10100] =	vst v63  }
0x85: {  	_ = 	snop  }
0x86: {  	[hbm4b:s5+s2] =	stream.indirect_vreg.scatter [tilespmem:s23], [sflag:$0x2], $0x80, v3, vm0, $0xb8;
	[tilespmem:$0x10100] =	vst v63  }
0x87: {  	_ = 	snop  }
0x88: {  	[hbm4b:s6+s2] =	stream.indirect_vreg.scatter [tilespmem:s24], [sflag:$0x2], $0x80, v3, vm0, $0xb8;
	[tilespmem:$0x10100] =	vst v63  }
0x89: {  	_ = 	snop  }
0x8a: {  	[hbm4b:s7+s2] =	stream.indirect_vreg.scatter [tilespmem:s25], [sflag:$0x2], $0x80, v3, vm0, $0xb8;
	[tilespmem:$0x10100] =	vst v63  }
0x8b: {  	v3 =	vld [tilespmem:$0x10090];
	_ =	sdelay $0x4  }
0x8c: {  	v61 =	vshll.u32 v3, $0x3  }
0x8d: {  	v3 =	vand.u32 $0x7, v3;
	v4 =	vand.u32 $0xFFFFFFC0, v61  }
0x8e: {  	v3 =	vor.u32 v3, v4  }
0x8f: {  	v4 =	vperm.xlane v3, v0;
	_ =	sdelay $0x1  }
0x90: {  	v4 =	vadd.s32 v1, v4;
	_ =	sdelay $0x4  }
0x91: {  	[hbm4b:s4+s2] =	stream.indirect_vreg.scatter [tilespmem:s26], [sflag:$0x2], $0x80, v4, vm0, $0xb8;
	[tilespmem:$0x10100] =	vst v63  }
0x92: {  	v3 =	vperm.xlane v3, v2  }
0x93: {  	[hbm4b:s5+s2] =	stream.indirect_vreg.scatter [tilespmem:s28], [sflag:$0x2], $0x80, v4, vm0, $0xb8;
	[tilespmem:$0x10100] =	vst v63  }
0x94: {  	v3 =	vadd.s32 v1, v3  }
0x95: {  	[hbm4b:s6+s2] =	stream.indirect_vreg.scatter [tilespmem:s29], [sflag:$0x2], $0x80, v4, vm0, $0xb8;
	[tilespmem:$0x10100] =	vst v63  }
0x96: {  	_ = 	snop  }
0x97: {  	[hbm4b:s7+s2] =	stream.indirect_vreg.scatter [tilespmem:s30], [sflag:$0x2], $0x80, v4, vm0, $0xb8;
	[tilespmem:$0x10100] =	vst v63  }
0x98: {  	_ = 	snop  }
0x99: {  	[hbm4b:s4+s2] =	stream.indirect_vreg.scatter [tilespmem:s31], [sflag:$0x2], $0x80, v3, vm0, $0xb8;
	[tilespmem:$0x10100] =	vst v63  }
0x9a: {  	s19 =	simm.s32 $0x6800  }
0x9b: {  	[hbm4b:s5+s2] =	stream.indirect_vreg.scatter [tilespmem:s19], [sflag:$0x2], $0x80, v3, vm0, $0xb8;
	[tilespmem:$0x10100] =	vst v63  }
0x9c: {  	_ = 	snop  }
0x9d: {  	[hbm4b:s6+s2] =	stream.indirect_vreg.scatter [tilespmem:s1], [sflag:$0x2], $0x80, v3, vm0, $0xb8;
	[tilespmem:$0x10100] =	vst v63  }
0x9e: {  	_ = 	snop  }
0x9f: {  	[hbm4b:s7+s2] =	stream.indirect_vreg.scatter [tilespmem:s3], [sflag:$0x2], $0x80, v3, vm0, $0xb8;
	[tilespmem:$0x10100] =	vst v63  }
0xa0: {  	v3 =	vld [tilespmem:$0x100A0];
	_ =	sdelay $0x4  }
0xa1: {  	v62 =	vshll.u32 v3, $0x3  }
0xa2: {  	v3 =	vand.u32 $0x7, v3;
	v4 =	vand.u32 $0xFFFFFFC0, v62  }
0xa3: {  	v3 =	vor.u32 v3, v4  }
0xa4: {  	v4 =	vperm.xlane v3, v0;
	_ =	sdelay $0x1  }
0xa5: {  	v4 =	vadd.s32 v1, v4;
	_ =	sdelay $0x4  }
0xa6: {  	[hbm4b:s4+s2] =	stream.indirect_vreg.scatter [tilespmem:s10], [sflag:$0x2], $0x80, v4, vm0, $0xb8;
	[tilespmem:$0x10100] =	vst v63  }
0xa7: {  	v3 =	vperm.xlane v3, v2  }
0xa8: {  	[hbm4b:s5+s2] =	stream.indirect_vreg.scatter [tilespmem:s11], [sflag:$0x2], $0x80, v4, vm0, $0xb8;
	[tilespmem:$0x10100] =	vst v63  }
0xa9: {  	v3 =	vadd.s32 v1, v3  }
0xaa: {  	[hbm4b:s6+s2] =	stream.indirect_vreg.scatter [tilespmem:s12], [sflag:$0x2], $0x80, v4, vm0, $0xb8;
	[tilespmem:$0x10100] =	vst v63  }
0xab: {  	_ = 	snop  }
0xac: {  	[hbm4b:s7+s2] =	stream.indirect_vreg.scatter [tilespmem:s13], [sflag:$0x2], $0x80, v4, vm0, $0xb8;
	[tilespmem:$0x10100] =	vst v63  }
0xad: {  	_ = 	snop  }
0xae: {  	[hbm4b:s4+s2] =	stream.indirect_vreg.scatter [tilespmem:s14], [sflag:$0x2], $0x80, v3, vm0, $0xb8;
	[tilespmem:$0x10100] =	vst v63  }
0xaf: {  	_ = 	snop  }
0xb0: {  	[hbm4b:s5+s2] =	stream.indirect_vreg.scatter [tilespmem:s15], [sflag:$0x2], $0x80, v3, vm0, $0xb8;
	[tilespmem:$0x10100] =	vst v63  }
0xb1: {  	_ = 	snop  }
0xb2: {  	[hbm4b:s6+s2] =	stream.indirect_vreg.scatter [tilespmem:s16], [sflag:$0x2], $0x80, v3, vm0, $0xb8;
	[tilespmem:$0x10100] =	vst v63  }
0xb3: {  	_ = 	snop  }
0xb4: {  	[hbm4b:s7+s2] =	stream.indirect_vreg.scatter [tilespmem:s17], [sflag:$0x2], $0x80, v3, vm0, $0xb8;
	[tilespmem:$0x10100] =	vst v63  }
0xb5: {  	v3 =	vld [tilespmem:$0x100B0];
	_ =	sdelay $0x4  }
0xb6: {  	v63 =	vshll.u32 v3, $0x3  }
0xb7: {  	v3 =	vand.u32 $0x7, v3;
	v4 =	vand.u32 $0xFFFFFFC0, v63  }
0xb8: {  	v3 =	vor.u32 v3, v4  }
0xb9: {  	v4 =	vperm.xlane v3, v0;
	_ =	sdelay $0x1  }
0xba: {  	v4 =	vadd.s32 v1, v4;
	_ =	sdelay $0x4  }
0xbb: {  	[hbm4b:s4+s2] =	stream.indirect_vreg.scatter [tilespmem:s18], [sflag:$0x2], $0x80, v4, vm0, $0xb8;
	[tilespmem:$0x10100] =	vst v63  }
0xbc: {  	s20 =	simm.s32 $0xC800;
	v3 =	vperm.xlane v3, v2  }
0xbd: {  	[hbm4b:s5+s2] =	stream.indirect_vreg.scatter [tilespmem:s20], [sflag:$0x2], $0x80, v4, vm0, $0xb8;
	[tilespmem:$0x10100] =	vst v63  }
0xbe: {  	s19 =	simm.s32 $0xD000;
	v3 =	vadd.s32 v1, v3  }
0xbf: {  	[hbm4b:s6+s2] =	stream.indirect_vreg.scatter [tilespmem:s19], [sflag:$0x2], $0x80, v4, vm0, $0xb8;
	[tilespmem:$0x10100] =	vst v63  }
0xc0: {  	s20 =	simm.s32 $0xD800  }
0xc1: {  	[hbm4b:s7+s2] =	stream.indirect_vreg.scatter [tilespmem:s20], [sflag:$0x2], $0x80, v4, vm0, $0xb8;
	[tilespmem:$0x10100] =	vst v63  }
0xc2: {  	s19 =	simm.s32 $0xE000  }
0xc3: {  	[hbm4b:s4+s2] =	stream.indirect_vreg.scatter [tilespmem:s19], [sflag:$0x2], $0x80, v3, vm0, $0xb8;
	[tilespmem:$0x10100] =	vst v63  }
0xc4: {  	s20 =	simm.s32 $0xE800  }
0xc5: {  	[hbm4b:s5+s2] =	stream.indirect_vreg.scatter [tilespmem:s20], [sflag:$0x2], $0x80, v3, vm0, $0xb8;
	[tilespmem:$0x10100] =	vst v63  }
0xc6: {  	s19 =	simm.s32 $0xF000  }
0xc7: {  	[hbm4b:s6+s2] =	stream.indirect_vreg.scatter [tilespmem:s19], [sflag:$0x2], $0x80, v3, vm0, $0xb8;
	[tilespmem:$0x10100] =	vst v63  }
0xc8: {  	s20 =	simm.s32 $0xF800;
	s19 =	simm.s32 $0x1  }
0xc9: {  	[hbm4b:s7+s2] =	stream.indirect_vreg.scatter [tilespmem:s20], [sflag:$0x2], $0x80, v3, vm0, $0xb8;
	[tilespmem:$0x10100] =	vst v63  }
0xca: {  	p0 =	sne.s32 s8, $0x1;
	_ =	swait.ge [sflag:s19], $0x10000  }
.Ltmp0:
0xcb: {  	[sflag:s19] =	ssyncset.done $0x0;
	(pc) =	sbr.rel @p0 .LBB2_1-.Ltmp0, $4  }
0xcc: {  	s20 =	simm.s32 $0x2;
	[sflag:s19] =	ssyncadd.s32 $0xFFFF0000  }
0xcd: {  	_ =	swait.ge [sflag:s20], $0x10000  }
0xce: {  	[sflag:s20] =	ssyncset.done $0x0  }
0xcf: {  	s8 =	sadd.s32 $0xFFFFFFFF, s8;
	[sflag:s20] =	ssyncadd.s32 $0xFFFF0000  }
0xd0: {  	_ =	sfence.sel $0x180000  }
0xd1: {  	[bflag:$0x0] =	sbarrier.arrive $0xFFFF  }
0xd2: {  	_ =	strace $0x90000047  }
0xd3: {  	s0 =	stileid.u32;
	[bflag:$0x2] =	sbarrier.arrive $0xFFFF  }
0xd4: {  	p0 =	sne.s32 s0, $0x0;
	s0 =	rddreg [dreg:$0x3]  }
0xd5: {  	s0 =	sadd.s32 @!p0 $0x100000, s0  }
0xd6: {  	[sflag:s0] =	ssyncadd.tile.s32 @!p0 $0x1;
	_ =	shalt  }
.Lfunc_end2:
_tile_overlayer_lowered:
.L_overlay_start_2:
0xd7: {  	(tag) =	ssettag $0x2  }
0xd8: {  	s0 =	rddreg [dreg:$0x0];
	s2 =	stileid.u32  }
0xd9: {  	s1 =	rddreg [dreg:$0x1];
	p0 =	sne.s32 s2, $0x0  }
0xda: {  	s3 =	rddreg [dreg:$0x2];
	[bflag:$0x3] =	sbarrier.arrive $0xFFFF;
	s2 =	simm.s32 @!p0 $0x1C03  }
0xdb: {  	[timem:s3], [sflag:s2] =	dma.local @!p0 [hbm:s0], s1  }
0xdc: {  	s0 =	simm.s32 @!p0 $0x3  }
0xdd: {  	_ =	swait.ge @!p0 [sflag:s0], s1  }
0xde: {  	s1 =	ssub.s32 @!p0 $0x0, s1;
	[sflag:s0] =	ssyncset.done @!p0 $0x0  }
0xdf: {  	[sflag:s0] =	ssyncadd.s32 @!p0 s1  }
0xe0: {  	[bflag:$0x3] =	sbarrier.arrive $0xFFFF  }
0xe1: {  	_ =	shalt  }

</sc_bundles>
